<compile_context>
chip_gen: v7x
topology: tpu7x:2x2x1
jax: 0.10.2.dev20260603
libtpu: 0.0.44.dev20260713+nightly
codegen_flags: <defaults>
</compile_context>

<pallas_src>
import functools

import jax
import jax.numpy as jnp
from jax import lax
from jax.experimental import pallas as pl
from jax.experimental.pallas import tpu as pltpu
from jax.experimental.pallas import tpu_sc as plsc

_D = 64
_NC = 2
_NS = 16
_NW = _NC * _NS
_IW = 128
_C = 256
_SUB = _C // _IW
_NB = 5
_A = 3


@functools.lru_cache(maxsize=None)
def _build(n_flat: int):
    b_per_w = n_flat // _NW
    n_chunks = b_per_w // _C
    assert n_chunks % _NB == 0 and _A < _NB
    mesh = plsc.VectorSubcoreMesh(core_axis_name="c", subcore_axis_name="s")

    @functools.partial(
        pl.kernel,
        mesh=mesh,
        out_type=jax.ShapeDtypeStruct((n_flat, _D), jnp.float32),
        scratch_types=[
            pltpu.VMEM((_NB, _SUB, _IW), jnp.int32),
            pltpu.VMEM((_NB, _C, _D), jnp.float32),
            [pltpu.SemaphoreType.DMA] * _NB,
            [pltpu.SemaphoreType.DMA] * _NB,
            [pltpu.SemaphoreType.DMA] * _NB,
        ],
        compiler_params=pltpu.CompilerParams(use_tc_tiling_on_sc=False),
    )
    def k(idx_hbm, table_hbm, out_hbm, idx_v, rows_v, sem_i, sem_g, sem_o):
        wid = lax.axis_index("s") * _NC + lax.axis_index("c")
        base = wid * b_per_w
        base_r = base // _IW

        def idx_copy(b, g):
            row = pl.multiple_of(base_r + g * _SUB, _SUB)
            return pltpu.make_async_copy(
                idx_hbm.at[pl.ds(row, _SUB)], idx_v.at[b], sem_i[b])

        def out_copy(b, g):
            off = pl.multiple_of(base + g * _C, _C)
            return pltpu.make_async_copy(
                rows_v.at[b], out_hbm.at[pl.ds(off, _C)], sem_o[b])

        def fire_gathers(b):
            for j in range(_SUB):
                pltpu.async_copy(
                    table_hbm.at[idx_v.at[b, j]],
                    rows_v.at[b, pl.ds(j * _IW, _IW)],
                    sem_g[b],
                )

        def drain_gathers(b):
            for j in range(_SUB):
                pltpu.make_async_copy(
                    table_hbm.at[idx_v.at[b, j]],
                    rows_v.at[b, pl.ds(j * _IW, _IW)],
                    sem_g[b],
                ).wait()

        for b in range(_NB):
            idx_copy(b, b).start()
        for g in range(_A):
            idx_copy(g, g).wait()
            fire_gathers(g)

        @pl.loop(0, n_chunks, step=_NB)
        def _(i):
            for b in range(_NB):
                g = i + b
                ba = (b + _A) % _NB

                @pl.when(g + _A < n_chunks)
                def _():
                    idx_copy(ba, g + _A).wait()

                    @pl.when(g + _A >= _NB)
                    def _():
                        out_copy(ba, g + _A - _NB).wait()

                    fire_gathers(ba)

                drain_gathers(b)
                out_copy(b, g).start()

                @pl.when(g + _NB < n_chunks)
                def _():
                    idx_copy(b, g + _NB).start()

        for b in range(_NB):
            out_copy(b, n_chunks - _NB + b).wait()

    return k


def kernel(token_ids, table):
    b, h = token_ids.shape
    flat = token_ids.reshape(-1).astype(jnp.int32)
    n = b * h
    step = _NW * _C * _NB
    n_pad = -(-n // step) * step
    if n_pad != n:
        flat = jnp.concatenate([flat, jnp.zeros((n_pad - n,), jnp.int32)])
    idx2d = flat.reshape(-1, _IW)
    out = _build(n_pad)(idx2d, table)
    return out[:n].reshape(b, h, _D)

# --- scband reference (transcript-rebuilt; emitter-appended) ---
"""Pipeline reference for scband-word-embedder-18743237280342 (READ-ONLY COPY).

The authoritative reference and input builder live on the scoring server;
editing this copy changes nothing except your own understanding.
"""

import jax, jax.numpy as jnp
import numpy as np

VOCAB = 1000000
D_MODEL = 64
BATCH = 16384
HIST = 50

def setup_inputs(seed: int = 0) -> dict:
    key = jax.random.key(seed)
    k_idx, k_tab = jax.random.split(key)
    token_ids = jax.random.randint(k_idx, (BATCH, HIST), 0, VOCAB, dtype=jnp.int64 if jax.config.jax_enable_x64 else jnp.int32)
    # nn.Embedding(vocab_size + 1, d_model) -> table has VOCAB+1 rows
    table = jax.random.normal(k_tab, (VOCAB + 1, D_MODEL), dtype=jnp.float32)
    return {"token_ids": token_ids, "table": table}

def reference(token_ids, table):
    # Faithful to nn.Embedding forward: row gather
    return jnp.take(table, token_ids, axis=0)

if __name__ == "__main__":
    import jax
    _d = setup_inputs()
    print(jax.jit(kernel)(*tuple(_d.values())))

</pallas_src>

<mosaic_0001>
#map = affine_map<(d0, d1) -> (0, 0)>
module attributes {stable_mosaic.version = 14 : i64} {
  func.func @k(%arg0: i32, %arg1: i32, %arg2: memref<6400x128xi32, #tpu.memory_space<hbm>>, %arg3: memref<1000001x64xf32, #tpu.memory_space<hbm>>, %arg4: memref<819200x64xf32, #tpu.memory_space<hbm>>, %arg5: memref<5x2x128xi32, #tpu.memory_space<vmem>>, %arg6: memref<5x256x64xf32, #tpu.memory_space<vmem>>, %arg7: memref<!tpu.dma_semaphore, #tpu.memory_space<semaphore_mem>>, %arg8: memref<!tpu.dma_semaphore, #tpu.memory_space<semaphore_mem>>, %arg9: memref<!tpu.dma_semaphore, #tpu.memory_space<semaphore_mem>>, %arg10: memref<!tpu.dma_semaphore, #tpu.memory_space<semaphore_mem>>, %arg11: memref<!tpu.dma_semaphore, #tpu.memory_space<semaphore_mem>>, %arg12: memref<!tpu.dma_semaphore, #tpu.memory_space<semaphore_mem>>, %arg13: memref<!tpu.dma_semaphore, #tpu.memory_space<semaphore_mem>>, %arg14: memref<!tpu.dma_semaphore, #tpu.memory_space<semaphore_mem>>, %arg15: memref<!tpu.dma_semaphore, #tpu.memory_space<semaphore_mem>>, %arg16: memref<!tpu.dma_semaphore, #tpu.memory_space<semaphore_mem>>, %arg17: memref<!tpu.dma_semaphore, #tpu.memory_space<semaphore_mem>>, %arg18: memref<!tpu.dma_semaphore, #tpu.memory_space<semaphore_mem>>, %arg19: memref<!tpu.dma_semaphore, #tpu.memory_space<semaphore_mem>>, %arg20: memref<!tpu.dma_semaphore, #tpu.memory_space<semaphore_mem>>, %arg21: memref<!tpu.dma_semaphore, #tpu.memory_space<semaphore_mem>>) attributes {dimension_semantics = [#tpu.dimension_semantics<core_parallel>, #tpu.dimension_semantics<subcore_parallel>], iteration_bounds = array<i64: 2, 16>, scalar_prefetch = 0 : i64, scratch_operands = 17 : i64, tpu.core_type = #tpu.core_type<sc_vector_subcore>, window_params = [{transform_indices = #map}, {transform_indices = #map}, {transform_indices = #map}]} {
    %mul3A = arith.constant 2 : i32
    %mul3A_0 = arith.muli %arg1, %mul3A : i32
    %add3A = arith.addi %mul3A_0, %arg0 : i32
    %mul3A_1 = arith.constant 25600 : i32
    %mul3A_2 = arith.muli %add3A, %mul3A_1 : i32
    %jit3A = arith.constant 128 : i32
    %div3A = arith.divsi %mul3A_2, %jit3A : i32
    %sign3A = arith.constant 0 : i32
    %sign3A_3 = arith.cmpi sgt, %mul3A_2, %sign3A : i32
    %sign3A_4 = arith.extui %sign3A_3 : i1 to i32
    %sign3A_5 = arith.constant 0 : i32
    %sign3A_6 = arith.cmpi slt, %mul3A_2, %sign3A_5 : i32
    %sign3A_7 = arith.extui %sign3A_6 : i1 to i32
    %sign3A_8 = arith.subi %sign3A_4, %sign3A_7 : i32
    %sign3A_9 = arith.constant 0 : i32
    %sign3A_10 = arith.cmpi sgt, %jit3A, %sign3A_9 : i32
    %sign3A_11 = arith.extui %sign3A_10 : i1 to i32
    %sign3A_12 = arith.constant 0 : i32
    %sign3A_13 = arith.cmpi slt, %jit3A, %sign3A_12 : i32
    %sign3A_14 = arith.extui %sign3A_13 : i1 to i32
    %sign3A_15 = arith.subi %sign3A_11, %sign3A_14 : i32
    %ne3A = arith.cmpi ne, %sign3A_8, %sign3A_15 : i32
    %rem3A = arith.remsi %mul3A_2, %jit3A : i32
    %ne3A_16 = arith.constant 0 : i32
    %ne3A_17 = arith.cmpi ne, %rem3A, %ne3A_16 : i32
    %and3A = arith.andi %ne3A, %ne3A_17 : i1
    %sub3A = arith.constant 1 : i32
    %sub3A_18 = arith.subi %div3A, %sub3A : i32
    %select_n3A = arith.select %and3A, %sub3A_18, %div3A : i32
    %add3A_19 = arith.constant 0 : i32
    %add3A_20 = arith.addi %select_n3A, %add3A_19 : i32
    %multiple_of3A = tpu.assume_multiple %add3A_20, 2 : i32
    %dma_start3A = arith.constant 0 : i32
    %dma_start3A_21 = arith.constant 0 : i32
    %dma_start3A_22 = arith.constant 0 : i32
    %dma_start3A_23 = tpu.memref_slice %arg5[%dma_start3A, %dma_start3A_21, %dma_start3A_22] : memref<5x2x128xi32, #tpu.memory_space<vmem>> -> memref<1x2x128xi32, #tpu.memory_space<vmem>>
    %dma_start3A_24 = tpu.memref_squeeze %dma_start3A_23 : memref<1x2x128xi32, #tpu.memory_space<vmem>> -> memref<2x128xi32, #tpu.memory_space<vmem>>
    %dma_start3A_25 = arith.constant 0 : i32
    %dma_start3A_26 = tpu.memref_slice %arg2[%multiple_of3A, %dma_start3A_25] : memref<6400x128xi32, #tpu.memory_space<hbm>> -> memref<2x128xi32, #tpu.memory_space<hbm>>
    %dma_start3A_27 = arith.constant 0 : i32
    %dma_start3A_28 = arith.constant 0 : i32
    %dma_start3A_29 = tpu.memref_slice %arg5[%dma_start3A, %dma_start3A_27, %dma_start3A_28] : memref<5x2x128xi32, #tpu.memory_space<vmem>> -> memref<1x2x128xi32, #tpu.memory_space<vmem>>
    %dma_start3A_30 = tpu.memref_squeeze %dma_start3A_29 : memref<1x2x128xi32, #tpu.memory_space<vmem>> -> memref<2x128xi32, #tpu.memory_space<vmem>>
    %dma_start3A_31 = arith.constant 0 : i32
    %dma_start3A_32 = tpu.memref_slice %arg2[%multiple_of3A, %dma_start3A_31] : memref<6400x128xi32, #tpu.memory_space<hbm>> -> memref<2x128xi32, #tpu.memory_space<hbm>>
    tpu.enqueue_dma source(%dma_start3A_32 : memref<2x128xi32, #tpu.memory_space<hbm>>) target(%dma_start3A_30 : memref<2x128xi32, #tpu.memory_space<vmem>>) target_semaphore(%arg7 : memref<!tpu.dma_semaphore, #tpu.memory_space<semaphore_mem>>)
    %add3A_33 = arith.constant 2 : i32
    %add3A_34 = arith.addi %select_n3A, %add3A_33 : i32
    %multiple_of3A_35 = tpu.assume_multiple %add3A_34, 2 : i32
    %dma_start3A_36 = arith.constant 1 : i32
    %dma_start3A_37 = arith.constant 0 : i32
    %dma_start3A_38 = arith.constant 0 : i32
    %dma_start3A_39 = tpu.memref_slice %arg5[%dma_start3A_36, %dma_start3A_37, %dma_start3A_38] : memref<5x2x128xi32, #tpu.memory_space<vmem>> -> memref<1x2x128xi32, #tpu.memory_space<vmem>>
    %dma_start3A_40 = tpu.memref_squeeze %dma_start3A_39 : memref<1x2x128xi32, #tpu.memory_space<vmem>> -> memref<2x128xi32, #tpu.memory_space<vmem>>
    %dma_start3A_41 = arith.constant 0 : i32
    %dma_start3A_42 = tpu.memref_slice %arg2[%multiple_of3A_35, %dma_start3A_41] : memref<6400x128xi32, #tpu.memory_space<hbm>> -> memref<2x128xi32, #tpu.memory_space<hbm>>
    %dma_start3A_43 = arith.constant 0 : i32
    %dma_start3A_44 = arith.constant 0 : i32
    %dma_start3A_45 = tpu.memref_slice %arg5[%dma_start3A_36, %dma_start3A_43, %dma_start3A_44] : memref<5x2x128xi32, #tpu.memory_space<vmem>> -> memref<1x2x128xi32, #tpu.memory_space<vmem>>
    %dma_start3A_46 = tpu.memref_squeeze %dma_start3A_45 : memref<1x2x128xi32, #tpu.memory_space<vmem>> -> memref<2x128xi32, #tpu.memory_space<vmem>>
    %dma_start3A_47 = arith.constant 0 : i32
    %dma_start3A_48 = tpu.memref_slice %arg2[%multiple_of3A_35, %dma_start3A_47] : memref<6400x128xi32, #tpu.memory_space<hbm>> -> memref<2x128xi32, #tpu.memory_space<hbm>>
    tpu.enqueue_dma source(%dma_start3A_48 : memref<2x128xi32, #tpu.memory_space<hbm>>) target(%dma_start3A_46 : memref<2x128xi32, #tpu.memory_space<vmem>>) target_semaphore(%arg8 : memref<!tpu.dma_semaphore, #tpu.memory_space<semaphore_mem>>)
    %add3A_49 = arith.constant 4 : i32
    %add3A_50 = arith.addi %select_n3A, %add3A_49 : i32
    %multiple_of3A_51 = tpu.assume_multiple %add3A_50, 2 : i32
    %dma_start3A_52 = arith.constant 2 : i32
    %dma_start3A_53 = arith.constant 0 : i32
    %dma_start3A_54 = arith.constant 0 : i32
    %dma_start3A_55 = tpu.memref_slice %arg5[%dma_start3A_52, %dma_start3A_53, %dma_start3A_54] : memref<5x2x128xi32, #tpu.memory_space<vmem>> -> memref<1x2x128xi32, #tpu.memory_space<vmem>>
    %dma_start3A_56 = tpu.memref_squeeze %dma_start3A_55 : memref<1x2x128xi32, #tpu.memory_space<vmem>> -> memref<2x128xi32, #tpu.memory_space<vmem>>
    %dma_start3A_57 = arith.constant 0 : i32
    %dma_start3A_58 = tpu.memref_slice %arg2[%multiple_of3A_51, %dma_start3A_57] : memref<6400x128xi32, #tpu.memory_space<hbm>> -> memref<2x128xi32, #tpu.memory_space<hbm>>
    %dma_start3A_59 = arith.constant 0 : i32
    %dma_start3A_60 = arith.constant 0 : i32
    %dma_start3A_61 = tpu.memref_slice %arg5[%dma_start3A_52, %dma_start3A_59, %dma_start3A_60] : memref<5x2x128xi32, #tpu.memory_space<vmem>> -> memref<1x2x128xi32, #tpu.memory_space<vmem>>
    %dma_start3A_62 = tpu.memref_squeeze %dma_start3A_61 : memref<1x2x128xi32, #tpu.memory_space<vmem>> -> memref<2x128xi32, #tpu.memory_space<vmem>>
    %dma_start3A_63 = arith.constant 0 : i32
    %dma_start3A_64 = tpu.memref_slice %arg2[%multiple_of3A_51, %dma_start3A_63] : memref<6400x128xi32, #tpu.memory_space<hbm>> -> memref<2x128xi32, #tpu.memory_space<hbm>>
    tpu.enqueue_dma source(%dma_start3A_64 : memref<2x128xi32, #tpu.memory_space<hbm>>) target(%dma_start3A_62 : memref<2x128xi32, #tpu.memory_space<vmem>>) target_semaphore(%arg9 : memref<!tpu.dma_semaphore, #tpu.memory_space<semaphore_mem>>)
    %add3A_65 = arith.constant 6 : i32
    %add3A_66 = arith.addi %select_n3A, %add3A_65 : i32
    %multiple_of3A_67 = tpu.assume_multiple %add3A_66, 2 : i32
    %dma_start3A_68 = arith.constant 3 : i32
    %dma_start3A_69 = arith.constant 0 : i32
    %dma_start3A_70 = arith.constant 0 : i32
    %dma_start3A_71 = tpu.memref_slice %arg5[%dma_start3A_68, %dma_start3A_69, %dma_start3A_70] : memref<5x2x128xi32, #tpu.memory_space<vmem>> -> memref<1x2x128xi32, #tpu.memory_space<vmem>>
    %dma_start3A_72 = tpu.memref_squeeze %dma_start3A_71 : memref<1x2x128xi32, #tpu.memory_space<vmem>> -> memref<2x128xi32, #tpu.memory_space<vmem>>
    %dma_start3A_73 = arith.constant 0 : i32
    %dma_start3A_74 = tpu.memref_slice %arg2[%multiple_of3A_67, %dma_start3A_73] : memref<6400x128xi32, #tpu.memory_space<hbm>> -> memref<2x128xi32, #tpu.memory_space<hbm>>
    %dma_start3A_75 = arith.constant 0 : i32
    %dma_start3A_76 = arith.constant 0 : i32
    %dma_start3A_77 = tpu.memref_slice %arg5[%dma_start3A_68, %dma_start3A_75, %dma_start3A_76] : memref<5x2x128xi32, #tpu.memory_space<vmem>> -> memref<1x2x128xi32, #tpu.memory_space<vmem>>
    %dma_start3A_78 = tpu.memref_squeeze %dma_start3A_77 : memref<1x2x128xi32, #tpu.memory_space<vmem>> -> memref<2x128xi32, #tpu.memory_space<vmem>>
    %dma_start3A_79 = arith.constant 0 : i32
    %dma_start3A_80 = tpu.memref_slice %arg2[%multiple_of3A_67, %dma_start3A_79] : memref<6400x128xi32, #tpu.memory_space<hbm>> -> memref<2x128xi32, #tpu.memory_space<hbm>>
    tpu.enqueue_dma source(%dma_start3A_80 : memref<2x128xi32, #tpu.memory_space<hbm>>) target(%dma_start3A_78 : memref<2x128xi32, #tpu.memory_space<vmem>>) target_semaphore(%arg10 : memref<!tpu.dma_semaphore, #tpu.memory_space<semaphore_mem>>)
    %add3A_81 = arith.constant 8 : i32
    %add3A_82 = arith.addi %select_n3A, %add3A_81 : i32
    %multiple_of3A_83 = tpu.assume_multiple %add3A_82, 2 : i32
    %dma_start3A_84 = arith.constant 4 : i32
    %dma_start3A_85 = arith.constant 0 : i32
    %dma_start3A_86 = arith.constant 0 : i32
    %dma_start3A_87 = tpu.memref_slice %arg5[%dma_start3A_84, %dma_start3A_85, %dma_start3A_86] : memref<5x2x128xi32, #tpu.memory_space<vmem>> -> memref<1x2x128xi32, #tpu.memory_space<vmem>>
    %dma_start3A_88 = tpu.memref_squeeze %dma_start3A_87 : memref<1x2x128xi32, #tpu.memory_space<vmem>> -> memref<2x128xi32, #tpu.memory_space<vmem>>
    %dma_start3A_89 = arith.constant 0 : i32
    %dma_start3A_90 = tpu.memref_slice %arg2[%multiple_of3A_83, %dma_start3A_89] : memref<6400x128xi32, #tpu.memory_space<hbm>> -> memref<2x128xi32, #tpu.memory_space<hbm>>
    %dma_start3A_91 = arith.constant 0 : i32
    %dma_start3A_92 = arith.constant 0 : i32
    %dma_start3A_93 = tpu.memref_slice %arg5[%dma_start3A_84, %dma_start3A_91, %dma_start3A_92] : memref<5x2x128xi32, #tpu.memory_space<vmem>> -> memref<1x2x128xi32, #tpu.memory_space<vmem>>
    %dma_start3A_94 = tpu.memref_squeeze %dma_start3A_93 : memref<1x2x128xi32, #tpu.memory_space<vmem>> -> memref<2x128xi32, #tpu.memory_space<vmem>>
    %dma_start3A_95 = arith.constant 0 : i32
    %dma_start3A_96 = tpu.memref_slice %arg2[%multiple_of3A_83, %dma_start3A_95] : memref<6400x128xi32, #tpu.memory_space<hbm>> -> memref<2x128xi32, #tpu.memory_space<hbm>>
    tpu.enqueue_dma source(%dma_start3A_96 : memref<2x128xi32, #tpu.memory_space<hbm>>) target(%dma_start3A_94 : memref<2x128xi32, #tpu.memory_space<vmem>>) target_semaphore(%arg11 : memref<!tpu.dma_semaphore, #tpu.memory_space<semaphore_mem>>)
    %add3A_97 = arith.constant 0 : i32
    %add3A_98 = arith.addi %select_n3A, %add3A_97 : i32
    %multiple_of3A_99 = tpu.assume_multiple %add3A_98, 2 : i32
    %dma_wait3A = arith.constant 0 : i32
    %dma_wait3A_100 = arith.constant 0 : i32
    %dma_wait3A_101 = arith.constant 0 : i32
    %dma_wait3A_102 = tpu.memref_slice %arg5[%dma_wait3A, %dma_wait3A_100, %dma_wait3A_101] : memref<5x2x128xi32, #tpu.memory_space<vmem>> -> memref<1x2x128xi32, #tpu.memory_space<vmem>>
    %dma_wait3A_103 = tpu.memref_squeeze %dma_wait3A_102 : memref<1x2x128xi32, #tpu.memory_space<vmem>> -> memref<2x128xi32, #tpu.memory_space<vmem>>
    %dma_wait3A_104 = arith.constant 0 : i32
    %dma_wait3A_105 = tpu.memref_slice %arg2[%multiple_of3A_99, %dma_wait3A_104] : memref<6400x128xi32, #tpu.memory_space<hbm>> -> memref<2x128xi32, #tpu.memory_space<hbm>>
    %dma_wait3A_106 = arith.constant 0 : i32
    %dma_wait3A_107 = arith.constant 0 : i32
    %dma_wait3A_108 = tpu.memref_slice %arg5[%dma_wait3A, %dma_wait3A_106, %dma_wait3A_107] : memref<5x2x128xi32, #tpu.memory_space<vmem>> -> memref<1x2x128xi32, #tpu.memory_space<vmem>>
    %dma_wait3A_109 = tpu.memref_squeeze %dma_wait3A_108 : memref<1x2x128xi32, #tpu.memory_space<vmem>> -> memref<2x128xi32, #tpu.memory_space<vmem>>
    %dma_wait3A_110 = arith.constant 0 : i32
    %dma_wait3A_111 = tpu.memref_slice %arg2[%multiple_of3A_99, %dma_wait3A_110] : memref<6400x128xi32, #tpu.memory_space<hbm>> -> memref<2x128xi32, #tpu.memory_space<hbm>>
    tpu.wait_dma2 semaphore(%arg7 : memref<!tpu.dma_semaphore, #tpu.memory_space<semaphore_mem>>) src(%dma_wait3A_111 : memref<2x128xi32, #tpu.memory_space<hbm>>) dst(%dma_wait3A_109 : memref<2x128xi32, #tpu.memory_space<vmem>>)
    %dma_start3A_112 = arith.constant 0 : i32
    %dma_start3A_113 = arith.constant 0 : i32
    %dma_start3A_114 = arith.constant 0 : i32
    %dma_start3A_115 = arith.constant 0 : i32
    %dma_start3A_116 = arith.constant 0 : i32
    %dma_start3A_117 = tpu.memref_slice %arg6[%dma_start3A_114, %dma_start3A_115, %dma_start3A_116] : memref<5x256x64xf32, #tpu.memory_space<vmem>> -> memref<1x128x64xf32, #tpu.memory_space<vmem>>
    %dma_start3A_118 = tpu.memref_squeeze %dma_start3A_117 : memref<1x128x64xf32, #tpu.memory_space<vmem>> -> memref<128x64xf32, #tpu.memory_space<vmem>>
    %dma_start3A_119 = arith.constant 0 : i32
    %dma_start3A_120 = tpu.memref_slice %arg5[%dma_start3A_112, %dma_start3A_113, %dma_start3A_119] : memref<5x2x128xi32, #tpu.memory_space<vmem>> -> memref<1x1x128xi32, #tpu.memory_space<vmem>>
    %dma_start3A_121 = tpu.memref_squeeze %dma_start3A_120 : memref<1x1x128xi32, #tpu.memory_space<vmem>> -> memref<128xi32, #tpu.memory_space<vmem>>
    %dma_start3A_122 = arith.constant 0 : i32
    %dma_start3A_123 = arith.constant 0 : i32
    %dma_start3A_124 = tpu.memref_slice %arg3[%dma_start3A_122, %dma_start3A_123] : memref<1000001x64xf32, #tpu.memory_space<hbm>> -> memref<1000001x64xf32, #tpu.memory_space<hbm>>
    tpu.enqueue_indirect_dma source(%dma_start3A_124 : memref<1000001x64xf32, #tpu.memory_space<hbm>>) target(%dma_start3A_118 : memref<128x64xf32, #tpu.memory_space<vmem>>) offsets(%dma_start3A_121 : memref<128xi32, #tpu.memory_space<vmem>>) semaphore(%arg12 : memref<!tpu.dma_semaphore, #tpu.memory_space<semaphore_mem>>)
    %dma_start3A_125 = arith.constant 0 : i32
    %dma_start3A_126 = arith.constant 1 : i32
    %dma_start3A_127 = arith.constant 0 : i32
    %dma_start3A_128 = arith.constant 128 : i32
    %dma_start3A_129 = arith.constant 0 : i32
    %dma_start3A_130 = tpu.memref_slice %arg6[%dma_start3A_127, %dma_start3A_128, %dma_start3A_129] : memref<5x256x64xf32, #tpu.memory_space<vmem>> -> memref<1x128x64xf32, #tpu.memory_space<vmem>>
    %dma_start3A_131 = tpu.memref_squeeze %dma_start3A_130 : memref<1x128x64xf32, #tpu.memory_space<vmem>> -> memref<128x64xf32, #tpu.memory_space<vmem>>
    %dma_start3A_132 = arith.constant 0 : i32
    %dma_start3A_133 = tpu.memref_slice %arg5[%dma_start3A_125, %dma_start3A_126, %dma_start3A_132] : memref<5x2x128xi32, #tpu.memory_space<vmem>> -> memref<1x1x128xi32, #tpu.memory_space<vmem>>
    %dma_start3A_134 = tpu.memref_squeeze %dma_start3A_133 : memref<1x1x128xi32, #tpu.memory_space<vmem>> -> memref<128xi32, #tpu.memory_space<vmem>>
    %dma_start3A_135 = arith.constant 0 : i32
    %dma_start3A_136 = arith.constant 0 : i32
    %dma_start3A_137 = tpu.memref_slice %arg3[%dma_start3A_135, %dma_start3A_136] : memref<1000001x64xf32, #tpu.memory_space<hbm>> -> memref<1000001x64xf32, #tpu.memory_space<hbm>>
    tpu.enqueue_indirect_dma source(%dma_start3A_137 : memref<1000001x64xf32, #tpu.memory_space<hbm>>) target(%dma_start3A_131 : memref<128x64xf32, #tpu.memory_space<vmem>>) offsets(%dma_start3A_134 : memref<128xi32, #tpu.memory_space<vmem>>) semaphore(%arg12 : memref<!tpu.dma_semaphore, #tpu.memory_space<semaphore_mem>>)
    %add3A_138 = arith.constant 2 : i32
    %add3A_139 = arith.addi %select_n3A, %add3A_138 : i32
    %multiple_of3A_140 = tpu.assume_multiple %add3A_139, 2 : i32
    %dma_wait3A_141 = arith.constant 1 : i32
    %dma_wait3A_142 = arith.constant 0 : i32
    %dma_wait3A_143 = arith.constant 0 : i32
    %dma_wait3A_144 = tpu.memref_slice %arg5[%dma_wait3A_141, %dma_wait3A_142, %dma_wait3A_143] : memref<5x2x128xi32, #tpu.memory_space<vmem>> -> memref<1x2x128xi32, #tpu.memory_space<vmem>>
    %dma_wait3A_145 = tpu.memref_squeeze %dma_wait3A_144 : memref<1x2x128xi32, #tpu.memory_space<vmem>> -> memref<2x128xi32, #tpu.memory_space<vmem>>
    %dma_wait3A_146 = arith.constant 0 : i32
    %dma_wait3A_147 = tpu.memref_slice %arg2[%multiple_of3A_140, %dma_wait3A_146] : memref<6400x128xi32, #tpu.memory_space<hbm>> -> memref<2x128xi32, #tpu.memory_space<hbm>>
    %dma_wait3A_148 = arith.constant 0 : i32
    %dma_wait3A_149 = arith.constant 0 : i32
    %dma_wait3A_150 = tpu.memref_slice %arg5[%dma_wait3A_141, %dma_wait3A_148, %dma_wait3A_149] : memref<5x2x128xi32, #tpu.memory_space<vmem>> -> memref<1x2x128xi32, #tpu.memory_space<vmem>>
    %dma_wait3A_151 = tpu.memref_squeeze %dma_wait3A_150 : memref<1x2x128xi32, #tpu.memory_space<vmem>> -> memref<2x128xi32, #tpu.memory_space<vmem>>
    %dma_wait3A_152 = arith.constant 0 : i32
    %dma_wait3A_153 = tpu.memref_slice %arg2[%multiple_of3A_140, %dma_wait3A_152] : memref<6400x128xi32, #tpu.memory_space<hbm>> -> memref<2x128xi32, #tpu.memory_space<hbm>>
    tpu.wait_dma2 semaphore(%arg8 : memref<!tpu.dma_semaphore, #tpu.memory_space<semaphore_mem>>) src(%dma_wait3A_153 : memref<2x128xi32, #tpu.memory_space<hbm>>) dst(%dma_wait3A_151 : memref<2x128xi32, #tpu.memory_space<vmem>>)
    %dma_start3A_154 = arith.constant 1 : i32
    %dma_start3A_155 = arith.constant 0 : i32
    %dma_start3A_156 = arith.constant 1 : i32
    %dma_start3A_157 = arith.constant 0 : i32
    %dma_start3A_158 = arith.constant 0 : i32
    %dma_start3A_159 = tpu.memref_slice %arg6[%dma_start3A_156, %dma_start3A_157, %dma_start3A_158] : memref<5x256x64xf32, #tpu.memory_space<vmem>> -> memref<1x128x64xf32, #tpu.memory_space<vmem>>
    %dma_start3A_160 = tpu.memref_squeeze %dma_start3A_159 : memref<1x128x64xf32, #tpu.memory_space<vmem>> -> memref<128x64xf32, #tpu.memory_space<vmem>>
    %dma_start3A_161 = arith.constant 0 : i32
    %dma_start3A_162 = tpu.memref_slice %arg5[%dma_start3A_154, %dma_start3A_155, %dma_start3A_161] : memref<5x2x128xi32, #tpu.memory_space<vmem>> -> memref<1x1x128xi32, #tpu.memory_space<vmem>>
    %dma_start3A_163 = tpu.memref_squeeze %dma_start3A_162 : memref<1x1x128xi32, #tpu.memory_space<vmem>> -> memref<128xi32, #tpu.memory_space<vmem>>
    %dma_start3A_164 = arith.constant 0 : i32
    %dma_start3A_165 = arith.constant 0 : i32
    %dma_start3A_166 = tpu.memref_slice %arg3[%dma_start3A_164, %dma_start3A_165] : memref<1000001x64xf32, #tpu.memory_space<hbm>> -> memref<1000001x64xf32, #tpu.memory_space<hbm>>
    tpu.enqueue_indirect_dma source(%dma_start3A_166 : memref<1000001x64xf32, #tpu.memory_space<hbm>>) target(%dma_start3A_160 : memref<128x64xf32, #tpu.memory_space<vmem>>) offsets(%dma_start3A_163 : memref<128xi32, #tpu.memory_space<vmem>>) semaphore(%arg13 : memref<!tpu.dma_semaphore, #tpu.memory_space<semaphore_mem>>)
    %dma_start3A_167 = arith.constant 1 : i32
    %dma_start3A_168 = arith.constant 1 : i32
    %dma_start3A_169 = arith.constant 1 : i32
    %dma_start3A_170 = arith.constant 128 : i32
    %dma_start3A_171 = arith.constant 0 : i32
    %dma_start3A_172 = tpu.memref_slice %arg6[%dma_start3A_169, %dma_start3A_170, %dma_start3A_171] : memref<5x256x64xf32, #tpu.memory_space<vmem>> -> memref<1x128x64xf32, #tpu.memory_space<vmem>>
    %dma_start3A_173 = tpu.memref_squeeze %dma_start3A_172 : memref<1x128x64xf32, #tpu.memory_space<vmem>> -> memref<128x64xf32, #tpu.memory_space<vmem>>
    %dma_start3A_174 = arith.constant 0 : i32
    %dma_start3A_175 = tpu.memref_slice %arg5[%dma_start3A_167, %dma_start3A_168, %dma_start3A_174] : memref<5x2x128xi32, #tpu.memory_space<vmem>> -> memref<1x1x128xi32, #tpu.memory_space<vmem>>
    %dma_start3A_176 = tpu.memref_squeeze %dma_start3A_175 : memref<1x1x128xi32, #tpu.memory_space<vmem>> -> memref<128xi32, #tpu.memory_space<vmem>>
    %dma_start3A_177 = arith.constant 0 : i32
    %dma_start3A_178 = arith.constant 0 : i32
    %dma_start3A_179 = tpu.memref_slice %arg3[%dma_start3A_177, %dma_start3A_178] : memref<1000001x64xf32, #tpu.memory_space<hbm>> -> memref<1000001x64xf32, #tpu.memory_space<hbm>>
    tpu.enqueue_indirect_dma source(%dma_start3A_179 : memref<1000001x64xf32, #tpu.memory_space<hbm>>) target(%dma_start3A_173 : memref<128x64xf32, #tpu.memory_space<vmem>>) offsets(%dma_start3A_176 : memref<128xi32, #tpu.memory_space<vmem>>) semaphore(%arg13 : memref<!tpu.dma_semaphore, #tpu.memory_space<semaphore_mem>>)
    %add3A_180 = arith.constant 4 : i32
    %add3A_181 = arith.addi %select_n3A, %add3A_180 : i32
    %multiple_of3A_182 = tpu.assume_multiple %add3A_181, 2 : i32
    %dma_wait3A_183 = arith.constant 2 : i32
    %dma_wait3A_184 = arith.constant 0 : i32
    %dma_wait3A_185 = arith.constant 0 : i32
    %dma_wait3A_186 = tpu.memref_slice %arg5[%dma_wait3A_183, %dma_wait3A_184, %dma_wait3A_185] : memref<5x2x128xi32, #tpu.memory_space<vmem>> -> memref<1x2x128xi32, #tpu.memory_space<vmem>>
    %dma_wait3A_187 = tpu.memref_squeeze %dma_wait3A_186 : memref<1x2x128xi32, #tpu.memory_space<vmem>> -> memref<2x128xi32, #tpu.memory_space<vmem>>
    %dma_wait3A_188 = arith.constant 0 : i32
    %dma_wait3A_189 = tpu.memref_slice %arg2[%multiple_of3A_182, %dma_wait3A_188] : memref<6400x128xi32, #tpu.memory_space<hbm>> -> memref<2x128xi32, #tpu.memory_space<hbm>>
    %dma_wait3A_190 = arith.constant 0 : i32
    %dma_wait3A_191 = arith.constant 0 : i32
    %dma_wait3A_192 = tpu.memref_slice %arg5[%dma_wait3A_183, %dma_wait3A_190, %dma_wait3A_191] : memref<5x2x128xi32, #tpu.memory_space<vmem>> -> memref<1x2x128xi32, #tpu.memory_space<vmem>>
    %dma_wait3A_193 = tpu.memref_squeeze %dma_wait3A_192 : memref<1x2x128xi32, #tpu.memory_space<vmem>> -> memref<2x128xi32, #tpu.memory_space<vmem>>
    %dma_wait3A_194 = arith.constant 0 : i32
    %dma_wait3A_195 = tpu.memref_slice %arg2[%multiple_of3A_182, %dma_wait3A_194] : memref<6400x128xi32, #tpu.memory_space<hbm>> -> memref<2x128xi32, #tpu.memory_space<hbm>>
    tpu.wait_dma2 semaphore(%arg9 : memref<!tpu.dma_semaphore, #tpu.memory_space<semaphore_mem>>) src(%dma_wait3A_195 : memref<2x128xi32, #tpu.memory_space<hbm>>) dst(%dma_wait3A_193 : memref<2x128xi32, #tpu.memory_space<vmem>>)
    %dma_start3A_196 = arith.constant 2 : i32
    %dma_start3A_197 = arith.constant 0 : i32
    %dma_start3A_198 = arith.constant 2 : i32
    %dma_start3A_199 = arith.constant 0 : i32
    %dma_start3A_200 = arith.constant 0 : i32
    %dma_start3A_201 = tpu.memref_slice %arg6[%dma_start3A_198, %dma_start3A_199, %dma_start3A_200] : memref<5x256x64xf32, #tpu.memory_space<vmem>> -> memref<1x128x64xf32, #tpu.memory_space<vmem>>
    %dma_start3A_202 = tpu.memref_squeeze %dma_start3A_201 : memref<1x128x64xf32, #tpu.memory_space<vmem>> -> memref<128x64xf32, #tpu.memory_space<vmem>>
    %dma_start3A_203 = arith.constant 0 : i32
    %dma_start3A_204 = tpu.memref_slice %arg5[%dma_start3A_196, %dma_start3A_197, %dma_start3A_203] : memref<5x2x128xi32, #tpu.memory_space<vmem>> -> memref<1x1x128xi32, #tpu.memory_space<vmem>>
    %dma_start3A_205 = tpu.memref_squeeze %dma_start3A_204 : memref<1x1x128xi32, #tpu.memory_space<vmem>> -> memref<128xi32, #tpu.memory_space<vmem>>
    %dma_start3A_206 = arith.constant 0 : i32
    %dma_start3A_207 = arith.constant 0 : i32
    %dma_start3A_208 = tpu.memref_slice %arg3[%dma_start3A_206, %dma_start3A_207] : memref<1000001x64xf32, #tpu.memory_space<hbm>> -> memref<1000001x64xf32, #tpu.memory_space<hbm>>
    tpu.enqueue_indirect_dma source(%dma_start3A_208 : memref<1000001x64xf32, #tpu.memory_space<hbm>>) target(%dma_start3A_202 : memref<128x64xf32, #tpu.memory_space<vmem>>) offsets(%dma_start3A_205 : memref<128xi32, #tpu.memory_space<vmem>>) semaphore(%arg14 : memref<!tpu.dma_semaphore, #tpu.memory_space<semaphore_mem>>)
    %dma_start3A_209 = arith.constant 2 : i32
    %dma_start3A_210 = arith.constant 1 : i32
    %dma_start3A_211 = arith.constant 2 : i32
    %dma_start3A_212 = arith.constant 128 : i32
    %dma_start3A_213 = arith.constant 0 : i32
    %dma_start3A_214 = tpu.memref_slice %arg6[%dma_start3A_211, %dma_start3A_212, %dma_start3A_213] : memref<5x256x64xf32, #tpu.memory_space<vmem>> -> memref<1x128x64xf32, #tpu.memory_space<vmem>>
    %dma_start3A_215 = tpu.memref_squeeze %dma_start3A_214 : memref<1x128x64xf32, #tpu.memory_space<vmem>> -> memref<128x64xf32, #tpu.memory_space<vmem>>
    %dma_start3A_216 = arith.constant 0 : i32
    %dma_start3A_217 = tpu.memref_slice %arg5[%dma_start3A_209, %dma_start3A_210, %dma_start3A_216] : memref<5x2x128xi32, #tpu.memory_space<vmem>> -> memref<1x1x128xi32, #tpu.memory_space<vmem>>
    %dma_start3A_218 = tpu.memref_squeeze %dma_start3A_217 : memref<1x1x128xi32, #tpu.memory_space<vmem>> -> memref<128xi32, #tpu.memory_space<vmem>>
    %dma_start3A_219 = arith.constant 0 : i32
    %dma_start3A_220 = arith.constant 0 : i32
    %dma_start3A_221 = tpu.memref_slice %arg3[%dma_start3A_219, %dma_start3A_220] : memref<1000001x64xf32, #tpu.memory_space<hbm>> -> memref<1000001x64xf32, #tpu.memory_space<hbm>>
    tpu.enqueue_indirect_dma source(%dma_start3A_221 : memref<1000001x64xf32, #tpu.memory_space<hbm>>) target(%dma_start3A_215 : memref<128x64xf32, #tpu.memory_space<vmem>>) offsets(%dma_start3A_218 : memref<128xi32, #tpu.memory_space<vmem>>) semaphore(%arg14 : memref<!tpu.dma_semaphore, #tpu.memory_space<semaphore_mem>>)
    %scan3A = arith.constant 0 : i32
    %scan3A_222 = arith.constant 20 : i32
    %scan3A_223 = arith.addi %scan3A, %scan3A_222 : i32
    %scan3A_224 = arith.constant 1 : i32
    scf.for %scan3A_306 = %scan3A to %scan3A_223 step %scan3A_224  : i32 {
      %mul3A_307 = arith.constant 5 : i32
      %mul3A_308 = arith.muli %scan3A_306, %mul3A_307 : i32
      %add3A_309 = arith.constant 0 : i32
      %add3A_310 = arith.addi %add3A_309, %mul3A_308 : i32
      %add3A_311 = arith.constant 0 : i32
      %add3A_312 = arith.addi %add3A_310, %add3A_311 : i32
      %add3A_313 = arith.constant 3 : i32
      %add3A_314 = arith.addi %add3A_312, %add3A_313 : i32
      %lt3A = arith.constant 100 : i32
      %lt3A_315 = arith.cmpi slt, %add3A_314, %lt3A : i32
      %convert_element_type3A = arith.extui %lt3A_315 : i1 to i32
      %cond3A = arith.constant 0 : i32
      %cond3A_316 = arith.cmpi ne, %convert_element_type3A, %cond3A : i32
      scf.if %cond3A_316 {
        %add3A_603 = arith.constant 3 : i32
        %add3A_604 = arith.addi %add3A_312, %add3A_603 : i32
        %mul3A_605 = arith.constant 2 : i32
        %mul3A_606 = arith.muli %add3A_604, %mul3A_605 : i32
        %add3A_607 = arith.addi %select_n3A, %mul3A_606 : i32
        %multiple_of3A_608 = tpu.assume_multiple %add3A_607, 2 : i32
        %dma_wait3A_609 = arith.constant 3 : i32
        %dma_wait3A_610 = arith.constant 0 : i32
        %dma_wait3A_611 = arith.constant 0 : i32
        %dma_wait3A_612 = tpu.memref_slice %arg5[%dma_wait3A_609, %dma_wait3A_610, %dma_wait3A_611] : memref<5x2x128xi32, #tpu.memory_space<vmem>> -> memref<1x2x128xi32, #tpu.memory_space<vmem>>
        %dma_wait3A_613 = tpu.memref_squeeze %dma_wait3A_612 : memref<1x2x128xi32, #tpu.memory_space<vmem>> -> memref<2x128xi32, #tpu.memory_space<vmem>>
        %dma_wait3A_614 = arith.constant 0 : i32
        %dma_wait3A_615 = tpu.memref_slice %arg2[%multiple_of3A_608, %dma_wait3A_614] : memref<6400x128xi32, #tpu.memory_space<hbm>> -> memref<2x128xi32, #tpu.memory_space<hbm>>
        %dma_wait3A_616 = arith.constant 0 : i32
        %dma_wait3A_617 = arith.constant 0 : i32
        %dma_wait3A_618 = tpu.memref_slice %arg5[%dma_wait3A_609, %dma_wait3A_616, %dma_wait3A_617] : memref<5x2x128xi32, #tpu.memory_space<vmem>> -> memref<1x2x128xi32, #tpu.memory_space<vmem>>
        %dma_wait3A_619 = tpu.memref_squeeze %dma_wait3A_618 : memref<1x2x128xi32, #tpu.memory_space<vmem>> -> memref<2x128xi32, #tpu.memory_space<vmem>>
        %dma_wait3A_620 = arith.constant 0 : i32
        %dma_wait3A_621 = tpu.memref_slice %arg2[%multiple_of3A_608, %dma_wait3A_620] : memref<6400x128xi32, #tpu.memory_space<hbm>> -> memref<2x128xi32, #tpu.memory_space<hbm>>
        tpu.wait_dma2 semaphore(%arg10 : memref<!tpu.dma_semaphore, #tpu.memory_space<semaphore_mem>>) src(%dma_wait3A_621 : memref<2x128xi32, #tpu.memory_space<hbm>>) dst(%dma_wait3A_619 : memref<2x128xi32, #tpu.memory_space<vmem>>)
        %add3A_622 = arith.constant 3 : i32
        %add3A_623 = arith.addi %add3A_312, %add3A_622 : i32
        %ge3A = arith.constant 5 : i32
        %ge3A_624 = arith.cmpi sge, %add3A_623, %ge3A : i32
        %convert_element_type3A_625 = arith.extui %ge3A_624 : i1 to i32
        %cond3A_626 = arith.constant 0 : i32
        %cond3A_627 = arith.cmpi ne, %convert_element_type3A_625, %cond3A_626 : i32
        scf.if %cond3A_627 {
          %add3A_654 = arith.constant 3 : i32
          %add3A_655 = arith.addi %add3A_312, %add3A_654 : i32
          %sub3A_656 = arith.constant 5 : i32
          %sub3A_657 = arith.subi %add3A_655, %sub3A_656 : i32
          %mul3A_658 = arith.constant 256 : i32
          %mul3A_659 = arith.muli %sub3A_657, %mul3A_658 : i32
          %add3A_660 = arith.addi %mul3A_2, %mul3A_659 : i32
          %multiple_of3A_661 = tpu.assume_multiple %add3A_660, 256 : i32
          %dma_wait3A_662 = arith.constant 3 : i32
          %dma_wait3A_663 = arith.constant 0 : i32
          %dma_wait3A_664 = arith.constant 0 : i32
          %dma_wait3A_665 = tpu.memref_slice %arg6[%dma_wait3A_662, %dma_wait3A_663, %dma_wait3A_664] : memref<5x256x64xf32, #tpu.memory_space<vmem>> -> memref<1x256x64xf32, #tpu.memory_space<vmem>>
          %dma_wait3A_666 = tpu.memref_squeeze %dma_wait3A_665 : memref<1x256x64xf32, #tpu.memory_space<vmem>> -> memref<256x64xf32, #tpu.memory_space<vmem>>
          %dma_wait3A_667 = arith.constant 0 : i32
          %dma_wait3A_668 = tpu.memref_slice %arg4[%multiple_of3A_661, %dma_wait3A_667] : memref<819200x64xf32, #tpu.memory_space<hbm>> -> memref<256x64xf32, #tpu.memory_space<hbm>>
          %dma_wait3A_669 = arith.constant 0 : i32
          %dma_wait3A_670 = tpu.memref_slice %arg4[%multiple_of3A_661, %dma_wait3A_669] : memref<819200x64xf32, #tpu.memory_space<hbm>> -> memref<256x64xf32, #tpu.memory_space<hbm>>
          %dma_wait3A_671 = arith.constant 0 : i32
          %dma_wait3A_672 = arith.constant 0 : i32
          %dma_wait3A_673 = tpu.memref_slice %arg6[%dma_wait3A_662, %dma_wait3A_671, %dma_wait3A_672] : memref<5x256x64xf32, #tpu.memory_space<vmem>> -> memref<1x256x64xf32, #tpu.memory_space<vmem>>
          %dma_wait3A_674 = tpu.memref_squeeze %dma_wait3A_673 : memref<1x256x64xf32, #tpu.memory_space<vmem>> -> memref<256x64xf32, #tpu.memory_space<vmem>>
          tpu.wait_dma2 semaphore(%arg20 : memref<!tpu.dma_semaphore, #tpu.memory_space<semaphore_mem>>) src(%dma_wait3A_674 : memref<256x64xf32, #tpu.memory_space<vmem>>) dst(%dma_wait3A_670 : memref<256x64xf32, #tpu.memory_space<hbm>>)
        } else {
        }
        %dma_start3A_628 = arith.constant 3 : i32
        %dma_start3A_629 = arith.constant 0 : i32
        %dma_start3A_630 = arith.constant 3 : i32
        %dma_start3A_631 = arith.constant 0 : i32
        %dma_start3A_632 = arith.constant 0 : i32
        %dma_start3A_633 = tpu.memref_slice %arg6[%dma_start3A_630, %dma_start3A_631, %dma_start3A_632] : memref<5x256x64xf32, #tpu.memory_space<vmem>> -> memref<1x128x64xf32, #tpu.memory_space<vmem>>
        %dma_start3A_634 = tpu.memref_squeeze %dma_start3A_633 : memref<1x128x64xf32, #tpu.memory_space<vmem>> -> memref<128x64xf32, #tpu.memory_space<vmem>>
        %dma_start3A_635 = arith.constant 0 : i32
        %dma_start3A_636 = tpu.memref_slice %arg5[%dma_start3A_628, %dma_start3A_629, %dma_start3A_635] : memref<5x2x128xi32, #tpu.memory_space<vmem>> -> memref<1x1x128xi32, #tpu.memory_space<vmem>>
        %dma_start3A_637 = tpu.memref_squeeze %dma_start3A_636 : memref<1x1x128xi32, #tpu.memory_space<vmem>> -> memref<128xi32, #tpu.memory_space<vmem>>
        %dma_start3A_638 = arith.constant 0 : i32
        %dma_start3A_639 = arith.constant 0 : i32
        %dma_start3A_640 = tpu.memref_slice %arg3[%dma_start3A_638, %dma_start3A_639] : memref<1000001x64xf32, #tpu.memory_space<hbm>> -> memref<1000001x64xf32, #tpu.memory_space<hbm>>
        tpu.enqueue_indirect_dma source(%dma_start3A_640 : memref<1000001x64xf32, #tpu.memory_space<hbm>>) target(%dma_start3A_634 : memref<128x64xf32, #tpu.memory_space<vmem>>) offsets(%dma_start3A_637 : memref<128xi32, #tpu.memory_space<vmem>>) semaphore(%arg15 : memref<!tpu.dma_semaphore, #tpu.memory_space<semaphore_mem>>)
        %dma_start3A_641 = arith.constant 3 : i32
        %dma_start3A_642 = arith.constant 1 : i32
        %dma_start3A_643 = arith.constant 3 : i32
        %dma_start3A_644 = arith.constant 128 : i32
        %dma_start3A_645 = arith.constant 0 : i32
        %dma_start3A_646 = tpu.memref_slice %arg6[%dma_start3A_643, %dma_start3A_644, %dma_start3A_645] : memref<5x256x64xf32, #tpu.memory_space<vmem>> -> memref<1x128x64xf32, #tpu.memory_space<vmem>>
        %dma_start3A_647 = tpu.memref_squeeze %dma_start3A_646 : memref<1x128x64xf32, #tpu.memory_space<vmem>> -> memref<128x64xf32, #tpu.memory_space<vmem>>
        %dma_start3A_648 = arith.constant 0 : i32
        %dma_start3A_649 = tpu.memref_slice %arg5[%dma_start3A_641, %dma_start3A_642, %dma_start3A_648] : memref<5x2x128xi32, #tpu.memory_space<vmem>> -> memref<1x1x128xi32, #tpu.memory_space<vmem>>
        %dma_start3A_650 = tpu.memref_squeeze %dma_start3A_649 : memref<1x1x128xi32, #tpu.memory_space<vmem>> -> memref<128xi32, #tpu.memory_space<vmem>>
        %dma_start3A_651 = arith.constant 0 : i32
        %dma_start3A_652 = arith.constant 0 : i32
        %dma_start3A_653 = tpu.memref_slice %arg3[%dma_start3A_651, %dma_start3A_652] : memref<1000001x64xf32, #tpu.memory_space<hbm>> -> memref<1000001x64xf32, #tpu.memory_space<hbm>>
        tpu.enqueue_indirect_dma source(%dma_start3A_653 : memref<1000001x64xf32, #tpu.memory_space<hbm>>) target(%dma_start3A_647 : memref<128x64xf32, #tpu.memory_space<vmem>>) offsets(%dma_start3A_650 : memref<128xi32, #tpu.memory_space<vmem>>) semaphore(%arg15 : memref<!tpu.dma_semaphore, #tpu.memory_space<semaphore_mem>>)
      } else {
      }
      %dma_wait3A_317 = arith.constant 0 : i32
      %dma_wait3A_318 = arith.constant 0 : i32
      %dma_wait3A_319 = arith.constant 0 : i32
      %dma_wait3A_320 = arith.constant 0 : i32
      %dma_wait3A_321 = arith.constant 0 : i32
      %dma_wait3A_322 = tpu.memref_slice %arg6[%dma_wait3A_319, %dma_wait3A_320, %dma_wait3A_321] : memref<5x256x64xf32, #tpu.memory_space<vmem>> -> memref<1x128x64xf32, #tpu.memory_space<vmem>>
      %dma_wait3A_323 = tpu.memref_squeeze %dma_wait3A_322 : memref<1x128x64xf32, #tpu.memory_space<vmem>> -> memref<128x64xf32, #tpu.memory_space<vmem>>
      %dma_wait3A_324 = arith.constant 0 : i32
      %dma_wait3A_325 = tpu.memref_slice %arg5[%dma_wait3A_317, %dma_wait3A_318, %dma_wait3A_324] : memref<5x2x128xi32, #tpu.memory_space<vmem>> -> memref<1x1x128xi32, #tpu.memory_space<vmem>>
      %dma_wait3A_326 = tpu.memref_squeeze %dma_wait3A_325 : memref<1x1x128xi32, #tpu.memory_space<vmem>> -> memref<128xi32, #tpu.memory_space<vmem>>
      %dma_wait3A_327 = arith.constant 0 : i32
      %dma_wait3A_328 = arith.constant 0 : i32
      %dma_wait3A_329 = tpu.memref_slice %arg3[%dma_wait3A_327, %dma_wait3A_328] : memref<1000001x64xf32, #tpu.memory_space<hbm>> -> memref<1000001x64xf32, #tpu.memory_space<hbm>>
      tpu.wait_indirect_dma semaphore(%arg12 : memref<!tpu.dma_semaphore, #tpu.memory_space<semaphore_mem>>) src(%dma_wait3A_329 : memref<1000001x64xf32, #tpu.memory_space<hbm>>) dst(%dma_wait3A_323 : memref<128x64xf32, #tpu.memory_space<vmem>>)
      %dma_wait3A_330 = arith.constant 0 : i32
      %dma_wait3A_331 = arith.constant 1 : i32
      %dma_wait3A_332 = arith.constant 0 : i32
      %dma_wait3A_333 = arith.constant 128 : i32
      %dma_wait3A_334 = arith.constant 0 : i32
      %dma_wait3A_335 = tpu.memref_slice %arg6[%dma_wait3A_332, %dma_wait3A_333, %dma_wait3A_334] : memref<5x256x64xf32, #tpu.memory_space<vmem>> -> memref<1x128x64xf32, #tpu.memory_space<vmem>>
      %dma_wait3A_336 = tpu.memref_squeeze %dma_wait3A_335 : memref<1x128x64xf32, #tpu.memory_space<vmem>> -> memref<128x64xf32, #tpu.memory_space<vmem>>
      %dma_wait3A_337 = arith.constant 0 : i32
      %dma_wait3A_338 = tpu.memref_slice %arg5[%dma_wait3A_330, %dma_wait3A_331, %dma_wait3A_337] : memref<5x2x128xi32, #tpu.memory_space<vmem>> -> memref<1x1x128xi32, #tpu.memory_space<vmem>>
      %dma_wait3A_339 = tpu.memref_squeeze %dma_wait3A_338 : memref<1x1x128xi32, #tpu.memory_space<vmem>> -> memref<128xi32, #tpu.memory_space<vmem>>
      %dma_wait3A_340 = arith.constant 0 : i32
      %dma_wait3A_341 = arith.constant 0 : i32
      %dma_wait3A_342 = tpu.memref_slice %arg3[%dma_wait3A_340, %dma_wait3A_341] : memref<1000001x64xf32, #tpu.memory_space<hbm>> -> memref<1000001x64xf32, #tpu.memory_space<hbm>>
      tpu.wait_indirect_dma semaphore(%arg12 : memref<!tpu.dma_semaphore, #tpu.memory_space<semaphore_mem>>) src(%dma_wait3A_342 : memref<1000001x64xf32, #tpu.memory_space<hbm>>) dst(%dma_wait3A_336 : memref<128x64xf32, #tpu.memory_space<vmem>>)
      %mul3A_343 = arith.constant 256 : i32
      %mul3A_344 = arith.muli %add3A_312, %mul3A_343 : i32
      %add3A_345 = arith.addi %mul3A_2, %mul3A_344 : i32
      %multiple_of3A_346 = tpu.assume_multiple %add3A_345, 256 : i32
      %dma_start3A_347 = arith.constant 0 : i32
      %dma_start3A_348 = arith.constant 0 : i32
      %dma_start3A_349 = arith.constant 0 : i32
      %dma_start3A_350 = tpu.memref_slice %arg6[%dma_start3A_347, %dma_start3A_348, %dma_start3A_349] : memref<5x256x64xf32, #tpu.memory_space<vmem>> -> memref<1x256x64xf32, #tpu.memory_space<vmem>>
      %dma_start3A_351 = tpu.memref_squeeze %dma_start3A_350 : memref<1x256x64xf32, #tpu.memory_space<vmem>> -> memref<256x64xf32, #tpu.memory_space<vmem>>
      %dma_start3A_352 = arith.constant 0 : i32
      %dma_start3A_353 = tpu.memref_slice %arg4[%multiple_of3A_346, %dma_start3A_352] : memref<819200x64xf32, #tpu.memory_space<hbm>> -> memref<256x64xf32, #tpu.memory_space<hbm>>
      %dma_start3A_354 = arith.constant 0 : i32
      %dma_start3A_355 = tpu.memref_slice %arg4[%multiple_of3A_346, %dma_start3A_354] : memref<819200x64xf32, #tpu.memory_space<hbm>> -> memref<256x64xf32, #tpu.memory_space<hbm>>
      %dma_start3A_356 = arith.constant 0 : i32
      %dma_start3A_357 = arith.constant 0 : i32
      %dma_start3A_358 = tpu.memref_slice %arg6[%dma_start3A_347, %dma_start3A_356, %dma_start3A_357] : memref<5x256x64xf32, #tpu.memory_space<vmem>> -> memref<1x256x64xf32, #tpu.memory_space<vmem>>
      %dma_start3A_359 = tpu.memref_squeeze %dma_start3A_358 : memref<1x256x64xf32, #tpu.memory_space<vmem>> -> memref<256x64xf32, #tpu.memory_space<vmem>>
      tpu.enqueue_dma source(%dma_start3A_359 : memref<256x64xf32, #tpu.memory_space<vmem>>) target(%dma_start3A_355 : memref<256x64xf32, #tpu.memory_space<hbm>>) target_semaphore(%arg17 : memref<!tpu.dma_semaphore, #tpu.memory_space<semaphore_mem>>)
      %add3A_360 = arith.constant 5 : i32
      %add3A_361 = arith.addi %add3A_312, %add3A_360 : i32
      %lt3A_362 = arith.constant 100 : i32
      %lt3A_363 = arith.cmpi slt, %add3A_361, %lt3A_362 : i32
      %convert_element_type3A_364 = arith.extui %lt3A_363 : i1 to i32
      %cond3A_365 = arith.constant 0 : i32
      %cond3A_366 = arith.cmpi ne, %convert_element_type3A_364, %cond3A_365 : i32
      scf.if %cond3A_366 {
        %add3A_603 = arith.constant 5 : i32
        %add3A_604 = arith.addi %add3A_312, %add3A_603 : i32
        %mul3A_605 = arith.constant 2 : i32
        %mul3A_606 = arith.muli %add3A_604, %mul3A_605 : i32
        %add3A_607 = arith.addi %select_n3A, %mul3A_606 : i32
        %multiple_of3A_608 = tpu.assume_multiple %add3A_607, 2 : i32
        %dma_start3A_609 = arith.constant 0 : i32
        %dma_start3A_610 = arith.constant 0 : i32
        %dma_start3A_611 = arith.constant 0 : i32
        %dma_start3A_612 = tpu.memref_slice %arg5[%dma_start3A_609, %dma_start3A_610, %dma_start3A_611] : memref<5x2x128xi32, #tpu.memory_space<vmem>> -> memref<1x2x128xi32, #tpu.memory_space<vmem>>
        %dma_start3A_613 = tpu.memref_squeeze %dma_start3A_612 : memref<1x2x128xi32, #tpu.memory_space<vmem>> -> memref<2x128xi32, #tpu.memory_space<vmem>>
        %dma_start3A_614 = arith.constant 0 : i32
        %dma_start3A_615 = tpu.memref_slice %arg2[%multiple_of3A_608, %dma_start3A_614] : memref<6400x128xi32, #tpu.memory_space<hbm>> -> memref<2x128xi32, #tpu.memory_space<hbm>>
        %dma_start3A_616 = arith.constant 0 : i32
        %dma_start3A_617 = arith.constant 0 : i32
        %dma_start3A_618 = tpu.memref_slice %arg5[%dma_start3A_609, %dma_start3A_616, %dma_start3A_617] : memref<5x2x128xi32, #tpu.memory_space<vmem>> -> memref<1x2x128xi32, #tpu.memory_space<vmem>>
        %dma_start3A_619 = tpu.memref_squeeze %dma_start3A_618 : memref<1x2x128xi32, #tpu.memory_space<vmem>> -> memref<2x128xi32, #tpu.memory_space<vmem>>
        %dma_start3A_620 = arith.constant 0 : i32
        %dma_start3A_621 = tpu.memref_slice %arg2[%multiple_of3A_608, %dma_start3A_620] : memref<6400x128xi32, #tpu.memory_space<hbm>> -> memref<2x128xi32, #tpu.memory_space<hbm>>
        tpu.enqueue_dma source(%dma_start3A_621 : memref<2x128xi32, #tpu.memory_space<hbm>>) target(%dma_start3A_619 : memref<2x128xi32, #tpu.memory_space<vmem>>) target_semaphore(%arg7 : memref<!tpu.dma_semaphore, #tpu.memory_space<semaphore_mem>>)
      } else {
      }
      %add3A_367 = arith.constant 1 : i32
      %add3A_368 = arith.addi %add3A_310, %add3A_367 : i32
      %add3A_369 = arith.constant 3 : i32
      %add3A_370 = arith.addi %add3A_368, %add3A_369 : i32
      %lt3A_371 = arith.constant 100 : i32
      %lt3A_372 = arith.cmpi slt, %add3A_370, %lt3A_371 : i32
      %convert_element_type3A_373 = arith.extui %lt3A_372 : i1 to i32
      %cond3A_374 = arith.constant 0 : i32
      %cond3A_375 = arith.cmpi ne, %convert_element_type3A_373, %cond3A_374 : i32
      scf.if %cond3A_375 {
        %add3A_603 = arith.constant 3 : i32
        %add3A_604 = arith.addi %add3A_368, %add3A_603 : i32
        %mul3A_605 = arith.constant 2 : i32
        %mul3A_606 = arith.muli %add3A_604, %mul3A_605 : i32
        %add3A_607 = arith.addi %select_n3A, %mul3A_606 : i32
        %multiple_of3A_608 = tpu.assume_multiple %add3A_607, 2 : i32
        %dma_wait3A_609 = arith.constant 4 : i32
        %dma_wait3A_610 = arith.constant 0 : i32
        %dma_wait3A_611 = arith.constant 0 : i32
        %dma_wait3A_612 = tpu.memref_slice %arg5[%dma_wait3A_609, %dma_wait3A_610, %dma_wait3A_611] : memref<5x2x128xi32, #tpu.memory_space<vmem>> -> memref<1x2x128xi32, #tpu.memory_space<vmem>>
        %dma_wait3A_613 = tpu.memref_squeeze %dma_wait3A_612 : memref<1x2x128xi32, #tpu.memory_space<vmem>> -> memref<2x128xi32, #tpu.memory_space<vmem>>
        %dma_wait3A_614 = arith.constant 0 : i32
        %dma_wait3A_615 = tpu.memref_slice %arg2[%multiple_of3A_608, %dma_wait3A_614] : memref<6400x128xi32, #tpu.memory_space<hbm>> -> memref<2x128xi32, #tpu.memory_space<hbm>>
        %dma_wait3A_616 = arith.constant 0 : i32
        %dma_wait3A_617 = arith.constant 0 : i32
        %dma_wait3A_618 = tpu.memref_slice %arg5[%dma_wait3A_609, %dma_wait3A_616, %dma_wait3A_617] : memref<5x2x128xi32, #tpu.memory_space<vmem>> -> memref<1x2x128xi32, #tpu.memory_space<vmem>>
        %dma_wait3A_619 = tpu.memref_squeeze %dma_wait3A_618 : memref<1x2x128xi32, #tpu.memory_space<vmem>> -> memref<2x128xi32, #tpu.memory_space<vmem>>
        %dma_wait3A_620 = arith.constant 0 : i32
        %dma_wait3A_621 = tpu.memref_slice %arg2[%multiple_of3A_608, %dma_wait3A_620] : memref<6400x128xi32, #tpu.memory_space<hbm>> -> memref<2x128xi32, #tpu.memory_space<hbm>>
        tpu.wait_dma2 semaphore(%arg11 : memref<!tpu.dma_semaphore, #tpu.memory_space<semaphore_mem>>) src(%dma_wait3A_621 : memref<2x128xi32, #tpu.memory_space<hbm>>) dst(%dma_wait3A_619 : memref<2x128xi32, #tpu.memory_space<vmem>>)
        %add3A_622 = arith.constant 3 : i32
        %add3A_623 = arith.addi %add3A_368, %add3A_622 : i32
        %ge3A = arith.constant 5 : i32
        %ge3A_624 = arith.cmpi sge, %add3A_623, %ge3A : i32
        %convert_element_type3A_625 = arith.extui %ge3A_624 : i1 to i32
        %cond3A_626 = arith.constant 0 : i32
        %cond3A_627 = arith.cmpi ne, %convert_element_type3A_625, %cond3A_626 : i32
        scf.if %cond3A_627 {
          %add3A_654 = arith.constant 3 : i32
          %add3A_655 = arith.addi %add3A_368, %add3A_654 : i32
          %sub3A_656 = arith.constant 5 : i32
          %sub3A_657 = arith.subi %add3A_655, %sub3A_656 : i32
          %mul3A_658 = arith.constant 256 : i32
          %mul3A_659 = arith.muli %sub3A_657, %mul3A_658 : i32
          %add3A_660 = arith.addi %mul3A_2, %mul3A_659 : i32
          %multiple_of3A_661 = tpu.assume_multiple %add3A_660, 256 : i32
          %dma_wait3A_662 = arith.constant 4 : i32
          %dma_wait3A_663 = arith.constant 0 : i32
          %dma_wait3A_664 = arith.constant 0 : i32
          %dma_wait3A_665 = tpu.memref_slice %arg6[%dma_wait3A_662, %dma_wait3A_663, %dma_wait3A_664] : memref<5x256x64xf32, #tpu.memory_space<vmem>> -> memref<1x256x64xf32, #tpu.memory_space<vmem>>
          %dma_wait3A_666 = tpu.memref_squeeze %dma_wait3A_665 : memref<1x256x64xf32, #tpu.memory_space<vmem>> -> memref<256x64xf32, #tpu.memory_space<vmem>>
          %dma_wait3A_667 = arith.constant 0 : i32
          %dma_wait3A_668 = tpu.memref_slice %arg4[%multiple_of3A_661, %dma_wait3A_667] : memref<819200x64xf32, #tpu.memory_space<hbm>> -> memref<256x64xf32, #tpu.memory_space<hbm>>
          %dma_wait3A_669 = arith.constant 0 : i32
          %dma_wait3A_670 = tpu.memref_slice %arg4[%multiple_of3A_661, %dma_wait3A_669] : memref<819200x64xf32, #tpu.memory_space<hbm>> -> memref<256x64xf32, #tpu.memory_space<hbm>>
          %dma_wait3A_671 = arith.constant 0 : i32
          %dma_wait3A_672 = arith.constant 0 : i32
          %dma_wait3A_673 = tpu.memref_slice %arg6[%dma_wait3A_662, %dma_wait3A_671, %dma_wait3A_672] : memref<5x256x64xf32, #tpu.memory_space<vmem>> -> memref<1x256x64xf32, #tpu.memory_space<vmem>>
          %dma_wait3A_674 = tpu.memref_squeeze %dma_wait3A_673 : memref<1x256x64xf32, #tpu.memory_space<vmem>> -> memref<256x64xf32, #tpu.memory_space<vmem>>
          tpu.wait_dma2 semaphore(%arg21 : memref<!tpu.dma_semaphore, #tpu.memory_space<semaphore_mem>>) src(%dma_wait3A_674 : memref<256x64xf32, #tpu.memory_space<vmem>>) dst(%dma_wait3A_670 : memref<256x64xf32, #tpu.memory_space<hbm>>)
        } else {
        }
        %dma_start3A_628 = arith.constant 4 : i32
        %dma_start3A_629 = arith.constant 0 : i32
        %dma_start3A_630 = arith.constant 4 : i32
        %dma_start3A_631 = arith.constant 0 : i32
        %dma_start3A_632 = arith.constant 0 : i32
        %dma_start3A_633 = tpu.memref_slice %arg6[%dma_start3A_630, %dma_start3A_631, %dma_start3A_632] : memref<5x256x64xf32, #tpu.memory_space<vmem>> -> memref<1x128x64xf32, #tpu.memory_space<vmem>>
        %dma_start3A_634 = tpu.memref_squeeze %dma_start3A_633 : memref<1x128x64xf32, #tpu.memory_space<vmem>> -> memref<128x64xf32, #tpu.memory_space<vmem>>
        %dma_start3A_635 = arith.constant 0 : i32
        %dma_start3A_636 = tpu.memref_slice %arg5[%dma_start3A_628, %dma_start3A_629, %dma_start3A_635] : memref<5x2x128xi32, #tpu.memory_space<vmem>> -> memref<1x1x128xi32, #tpu.memory_space<vmem>>
        %dma_start3A_637 = tpu.memref_squeeze %dma_start3A_636 : memref<1x1x128xi32, #tpu.memory_space<vmem>> -> memref<128xi32, #tpu.memory_space<vmem>>
        %dma_start3A_638 = arith.constant 0 : i32
        %dma_start3A_639 = arith.constant 0 : i32
        %dma_start3A_640 = tpu.memref_slice %arg3[%dma_start3A_638, %dma_start3A_639] : memref<1000001x64xf32, #tpu.memory_space<hbm>> -> memref<1000001x64xf32, #tpu.memory_space<hbm>>
        tpu.enqueue_indirect_dma source(%dma_start3A_640 : memref<1000001x64xf32, #tpu.memory_space<hbm>>) target(%dma_start3A_634 : memref<128x64xf32, #tpu.memory_space<vmem>>) offsets(%dma_start3A_637 : memref<128xi32, #tpu.memory_space<vmem>>) semaphore(%arg16 : memref<!tpu.dma_semaphore, #tpu.memory_space<semaphore_mem>>)
        %dma_start3A_641 = arith.constant 4 : i32
        %dma_start3A_642 = arith.constant 1 : i32
        %dma_start3A_643 = arith.constant 4 : i32
        %dma_start3A_644 = arith.constant 128 : i32
        %dma_start3A_645 = arith.constant 0 : i32
        %dma_start3A_646 = tpu.memref_slice %arg6[%dma_start3A_643, %dma_start3A_644, %dma_start3A_645] : memref<5x256x64xf32, #tpu.memory_space<vmem>> -> memref<1x128x64xf32, #tpu.memory_space<vmem>>
        %dma_start3A_647 = tpu.memref_squeeze %dma_start3A_646 : memref<1x128x64xf32, #tpu.memory_space<vmem>> -> memref<128x64xf32, #tpu.memory_space<vmem>>
        %dma_start3A_648 = arith.constant 0 : i32
        %dma_start3A_649 = tpu.memref_slice %arg5[%dma_start3A_641, %dma_start3A_642, %dma_start3A_648] : memref<5x2x128xi32, #tpu.memory_space<vmem>> -> memref<1x1x128xi32, #tpu.memory_space<vmem>>
        %dma_start3A_650 = tpu.memref_squeeze %dma_start3A_649 : memref<1x1x128xi32, #tpu.memory_space<vmem>> -> memref<128xi32, #tpu.memory_space<vmem>>
        %dma_start3A_651 = arith.constant 0 : i32
        %dma_start3A_652 = arith.constant 0 : i32
        %dma_start3A_653 = tpu.memref_slice %arg3[%dma_start3A_651, %dma_start3A_652] : memref<1000001x64xf32, #tpu.memory_space<hbm>> -> memref<1000001x64xf32, #tpu.memory_space<hbm>>
        tpu.enqueue_indirect_dma source(%dma_start3A_653 : memref<1000001x64xf32, #tpu.memory_space<hbm>>) target(%dma_start3A_647 : memref<128x64xf32, #tpu.memory_space<vmem>>) offsets(%dma_start3A_650 : memref<128xi32, #tpu.memory_space<vmem>>) semaphore(%arg16 : memref<!tpu.dma_semaphore, #tpu.memory_space<semaphore_mem>>)
      } else {
      }
      %dma_wait3A_376 = arith.constant 1 : i32
      %dma_wait3A_377 = arith.constant 0 : i32
      %dma_wait3A_378 = arith.constant 1 : i32
      %dma_wait3A_379 = arith.constant 0 : i32
      %dma_wait3A_380 = arith.constant 0 : i32
      %dma_wait3A_381 = tpu.memref_slice %arg6[%dma_wait3A_378, %dma_wait3A_379, %dma_wait3A_380] : memref<5x256x64xf32, #tpu.memory_space<vmem>> -> memref<1x128x64xf32, #tpu.memory_space<vmem>>
      %dma_wait3A_382 = tpu.memref_squeeze %dma_wait3A_381 : memref<1x128x64xf32, #tpu.memory_space<vmem>> -> memref<128x64xf32, #tpu.memory_space<vmem>>
      %dma_wait3A_383 = arith.constant 0 : i32
      %dma_wait3A_384 = tpu.memref_slice %arg5[%dma_wait3A_376, %dma_wait3A_377, %dma_wait3A_383] : memref<5x2x128xi32, #tpu.memory_space<vmem>> -> memref<1x1x128xi32, #tpu.memory_space<vmem>>
      %dma_wait3A_385 = tpu.memref_squeeze %dma_wait3A_384 : memref<1x1x128xi32, #tpu.memory_space<vmem>> -> memref<128xi32, #tpu.memory_space<vmem>>
      %dma_wait3A_386 = arith.constant 0 : i32
      %dma_wait3A_387 = arith.constant 0 : i32
      %dma_wait3A_388 = tpu.memref_slice %arg3[%dma_wait3A_386, %dma_wait3A_387] : memref<1000001x64xf32, #tpu.memory_space<hbm>> -> memref<1000001x64xf32, #tpu.memory_space<hbm>>
      tpu.wait_indirect_dma semaphore(%arg13 : memref<!tpu.dma_semaphore, #tpu.memory_space<semaphore_mem>>) src(%dma_wait3A_388 : memref<1000001x64xf32, #tpu.memory_space<hbm>>) dst(%dma_wait3A_382 : memref<128x64xf32, #tpu.memory_space<vmem>>)
      %dma_wait3A_389 = arith.constant 1 : i32
      %dma_wait3A_390 = arith.constant 1 : i32
      %dma_wait3A_391 = arith.constant 1 : i32
      %dma_wait3A_392 = arith.constant 128 : i32
      %dma_wait3A_393 = arith.constant 0 : i32
      %dma_wait3A_394 = tpu.memref_slice %arg6[%dma_wait3A_391, %dma_wait3A_392, %dma_wait3A_393] : memref<5x256x64xf32, #tpu.memory_space<vmem>> -> memref<1x128x64xf32, #tpu.memory_space<vmem>>
      %dma_wait3A_395 = tpu.memref_squeeze %dma_wait3A_394 : memref<1x128x64xf32, #tpu.memory_space<vmem>> -> memref<128x64xf32, #tpu.memory_space<vmem>>
      %dma_wait3A_396 = arith.constant 0 : i32
      %dma_wait3A_397 = tpu.memref_slice %arg5[%dma_wait3A_389, %dma_wait3A_390, %dma_wait3A_396] : memref<5x2x128xi32, #tpu.memory_space<vmem>> -> memref<1x1x128xi32, #tpu.memory_space<vmem>>
      %dma_wait3A_398 = tpu.memref_squeeze %dma_wait3A_397 : memref<1x1x128xi32, #tpu.memory_space<vmem>> -> memref<128xi32, #tpu.memory_space<vmem>>
      %dma_wait3A_399 = arith.constant 0 : i32
      %dma_wait3A_400 = arith.constant 0 : i32
      %dma_wait3A_401 = tpu.memref_slice %arg3[%dma_wait3A_399, %dma_wait3A_400] : memref<1000001x64xf32, #tpu.memory_space<hbm>> -> memref<1000001x64xf32, #tpu.memory_space<hbm>>
      tpu.wait_indirect_dma semaphore(%arg13 : memref<!tpu.dma_semaphore, #tpu.memory_space<semaphore_mem>>) src(%dma_wait3A_401 : memref<1000001x64xf32, #tpu.memory_space<hbm>>) dst(%dma_wait3A_395 : memref<128x64xf32, #tpu.memory_space<vmem>>)
      %mul3A_402 = arith.constant 256 : i32
      %mul3A_403 = arith.muli %add3A_368, %mul3A_402 : i32
      %add3A_404 = arith.addi %mul3A_2, %mul3A_403 : i32
      %multiple_of3A_405 = tpu.assume_multiple %add3A_404, 256 : i32
      %dma_start3A_406 = arith.constant 1 : i32
      %dma_start3A_407 = arith.constant 0 : i32
      %dma_start3A_408 = arith.constant 0 : i32
      %dma_start3A_409 = tpu.memref_slice %arg6[%dma_start3A_406, %dma_start3A_407, %dma_start3A_408] : memref<5x256x64xf32, #tpu.memory_space<vmem>> -> memref<1x256x64xf32, #tpu.memory_space<vmem>>
      %dma_start3A_410 = tpu.memref_squeeze %dma_start3A_409 : memref<1x256x64xf32, #tpu.memory_space<vmem>> -> memref<256x64xf32, #tpu.memory_space<vmem>>
      %dma_start3A_411 = arith.constant 0 : i32
      %dma_start3A_412 = tpu.memref_slice %arg4[%multiple_of3A_405, %dma_start3A_411] : memref<819200x64xf32, #tpu.memory_space<hbm>> -> memref<256x64xf32, #tpu.memory_space<hbm>>
      %dma_start3A_413 = arith.constant 0 : i32
      %dma_start3A_414 = tpu.memref_slice %arg4[%multiple_of3A_405, %dma_start3A_413] : memref<819200x64xf32, #tpu.memory_space<hbm>> -> memref<256x64xf32, #tpu.memory_space<hbm>>
      %dma_start3A_415 = arith.constant 0 : i32
      %dma_start3A_416 = arith.constant 0 : i32
      %dma_start3A_417 = tpu.memref_slice %arg6[%dma_start3A_406, %dma_start3A_415, %dma_start3A_416] : memref<5x256x64xf32, #tpu.memory_space<vmem>> -> memref<1x256x64xf32, #tpu.memory_space<vmem>>
      %dma_start3A_418 = tpu.memref_squeeze %dma_start3A_417 : memref<1x256x64xf32, #tpu.memory_space<vmem>> -> memref<256x64xf32, #tpu.memory_space<vmem>>
      tpu.enqueue_dma source(%dma_start3A_418 : memref<256x64xf32, #tpu.memory_space<vmem>>) target(%dma_start3A_414 : memref<256x64xf32, #tpu.memory_space<hbm>>) target_semaphore(%arg18 : memref<!tpu.dma_semaphore, #tpu.memory_space<semaphore_mem>>)
      %add3A_419 = arith.constant 5 : i32
      %add3A_420 = arith.addi %add3A_368, %add3A_419 : i32
      %lt3A_421 = arith.constant 100 : i32
      %lt3A_422 = arith.cmpi slt, %add3A_420, %lt3A_421 : i32
      %convert_element_type3A_423 = arith.extui %lt3A_422 : i1 to i32
      %cond3A_424 = arith.constant 0 : i32
      %cond3A_425 = arith.cmpi ne, %convert_element_type3A_423, %cond3A_424 : i32
      scf.if %cond3A_425 {
        %add3A_603 = arith.constant 5 : i32
        %add3A_604 = arith.addi %add3A_368, %add3A_603 : i32
        %mul3A_605 = arith.constant 2 : i32
        %mul3A_606 = arith.muli %add3A_604, %mul3A_605 : i32
        %add3A_607 = arith.addi %select_n3A, %mul3A_606 : i32
        %multiple_of3A_608 = tpu.assume_multiple %add3A_607, 2 : i32
        %dma_start3A_609 = arith.constant 1 : i32
        %dma_start3A_610 = arith.constant 0 : i32
        %dma_start3A_611 = arith.constant 0 : i32
        %dma_start3A_612 = tpu.memref_slice %arg5[%dma_start3A_609, %dma_start3A_610, %dma_start3A_611] : memref<5x2x128xi32, #tpu.memory_space<vmem>> -> memref<1x2x128xi32, #tpu.memory_space<vmem>>
        %dma_start3A_613 = tpu.memref_squeeze %dma_start3A_612 : memref<1x2x128xi32, #tpu.memory_space<vmem>> -> memref<2x128xi32, #tpu.memory_space<vmem>>
        %dma_start3A_614 = arith.constant 0 : i32
        %dma_start3A_615 = tpu.memref_slice %arg2[%multiple_of3A_608, %dma_start3A_614] : memref<6400x128xi32, #tpu.memory_space<hbm>> -> memref<2x128xi32, #tpu.memory_space<hbm>>
        %dma_start3A_616 = arith.constant 0 : i32
        %dma_start3A_617 = arith.constant 0 : i32
        %dma_start3A_618 = tpu.memref_slice %arg5[%dma_start3A_609, %dma_start3A_616, %dma_start3A_617] : memref<5x2x128xi32, #tpu.memory_space<vmem>> -> memref<1x2x128xi32, #tpu.memory_space<vmem>>
        %dma_start3A_619 = tpu.memref_squeeze %dma_start3A_618 : memref<1x2x128xi32, #tpu.memory_space<vmem>> -> memref<2x128xi32, #tpu.memory_space<vmem>>
        %dma_start3A_620 = arith.constant 0 : i32
        %dma_start3A_621 = tpu.memref_slice %arg2[%multiple_of3A_608, %dma_start3A_620] : memref<6400x128xi32, #tpu.memory_space<hbm>> -> memref<2x128xi32, #tpu.memory_space<hbm>>
        tpu.enqueue_dma source(%dma_start3A_621 : memref<2x128xi32, #tpu.memory_space<hbm>>) target(%dma_start3A_619 : memref<2x128xi32, #tpu.memory_space<vmem>>) target_semaphore(%arg8 : memref<!tpu.dma_semaphore, #tpu.memory_space<semaphore_mem>>)
      } else {
      }
      %add3A_426 = arith.constant 2 : i32
      %add3A_427 = arith.addi %add3A_310, %add3A_426 : i32
      %add3A_428 = arith.constant 3 : i32
      %add3A_429 = arith.addi %add3A_427, %add3A_428 : i32
      %lt3A_430 = arith.constant 100 : i32
      %lt3A_431 = arith.cmpi slt, %add3A_429, %lt3A_430 : i32
      %convert_element_type3A_432 = arith.extui %lt3A_431 : i1 to i32
      %cond3A_433 = arith.constant 0 : i32
      %cond3A_434 = arith.cmpi ne, %convert_element_type3A_432, %cond3A_433 : i32
      scf.if %cond3A_434 {
        %add3A_603 = arith.constant 3 : i32
        %add3A_604 = arith.addi %add3A_427, %add3A_603 : i32
        %mul3A_605 = arith.constant 2 : i32
        %mul3A_606 = arith.muli %add3A_604, %mul3A_605 : i32
        %add3A_607 = arith.addi %select_n3A, %mul3A_606 : i32
        %multiple_of3A_608 = tpu.assume_multiple %add3A_607, 2 : i32
        %dma_wait3A_609 = arith.constant 0 : i32
        %dma_wait3A_610 = arith.constant 0 : i32
        %dma_wait3A_611 = arith.constant 0 : i32
        %dma_wait3A_612 = tpu.memref_slice %arg5[%dma_wait3A_609, %dma_wait3A_610, %dma_wait3A_611] : memref<5x2x128xi32, #tpu.memory_space<vmem>> -> memref<1x2x128xi32, #tpu.memory_space<vmem>>
        %dma_wait3A_613 = tpu.memref_squeeze %dma_wait3A_612 : memref<1x2x128xi32, #tpu.memory_space<vmem>> -> memref<2x128xi32, #tpu.memory_space<vmem>>
        %dma_wait3A_614 = arith.constant 0 : i32
        %dma_wait3A_615 = tpu.memref_slice %arg2[%multiple_of3A_608, %dma_wait3A_614] : memref<6400x128xi32, #tpu.memory_space<hbm>> -> memref<2x128xi32, #tpu.memory_space<hbm>>
        %dma_wait3A_616 = arith.constant 0 : i32
        %dma_wait3A_617 = arith.constant 0 : i32
        %dma_wait3A_618 = tpu.memref_slice %arg5[%dma_wait3A_609, %dma_wait3A_616, %dma_wait3A_617] : memref<5x2x128xi32, #tpu.memory_space<vmem>> -> memref<1x2x128xi32, #tpu.memory_space<vmem>>
        %dma_wait3A_619 = tpu.memref_squeeze %dma_wait3A_618 : memref<1x2x128xi32, #tpu.memory_space<vmem>> -> memref<2x128xi32, #tpu.memory_space<vmem>>
        %dma_wait3A_620 = arith.constant 0 : i32
        %dma_wait3A_621 = tpu.memref_slice %arg2[%multiple_of3A_608, %dma_wait3A_620] : memref<6400x128xi32, #tpu.memory_space<hbm>> -> memref<2x128xi32, #tpu.memory_space<hbm>>
        tpu.wait_dma2 semaphore(%arg7 : memref<!tpu.dma_semaphore, #tpu.memory_space<semaphore_mem>>) src(%dma_wait3A_621 : memref<2x128xi32, #tpu.memory_space<hbm>>) dst(%dma_wait3A_619 : memref<2x128xi32, #tpu.memory_space<vmem>>)
        %add3A_622 = arith.constant 3 : i32
        %add3A_623 = arith.addi %add3A_427, %add3A_622 : i32
        %ge3A = arith.constant 5 : i32
        %ge3A_624 = arith.cmpi sge, %add3A_623, %ge3A : i32
        %convert_element_type3A_625 = arith.extui %ge3A_624 : i1 to i32
        %cond3A_626 = arith.constant 0 : i32
        %cond3A_627 = arith.cmpi ne, %convert_element_type3A_625, %cond3A_626 : i32
        scf.if %cond3A_627 {
          %add3A_654 = arith.constant 3 : i32
          %add3A_655 = arith.addi %add3A_427, %add3A_654 : i32
          %sub3A_656 = arith.constant 5 : i32
          %sub3A_657 = arith.subi %add3A_655, %sub3A_656 : i32
          %mul3A_658 = arith.constant 256 : i32
          %mul3A_659 = arith.muli %sub3A_657, %mul3A_658 : i32
          %add3A_660 = arith.addi %mul3A_2, %mul3A_659 : i32
          %multiple_of3A_661 = tpu.assume_multiple %add3A_660, 256 : i32
          %dma_wait3A_662 = arith.constant 0 : i32
          %dma_wait3A_663 = arith.constant 0 : i32
          %dma_wait3A_664 = arith.constant 0 : i32
          %dma_wait3A_665 = tpu.memref_slice %arg6[%dma_wait3A_662, %dma_wait3A_663, %dma_wait3A_664] : memref<5x256x64xf32, #tpu.memory_space<vmem>> -> memref<1x256x64xf32, #tpu.memory_space<vmem>>
          %dma_wait3A_666 = tpu.memref_squeeze %dma_wait3A_665 : memref<1x256x64xf32, #tpu.memory_space<vmem>> -> memref<256x64xf32, #tpu.memory_space<vmem>>
          %dma_wait3A_667 = arith.constant 0 : i32
          %dma_wait3A_668 = tpu.memref_slice %arg4[%multiple_of3A_661, %dma_wait3A_667] : memref<819200x64xf32, #tpu.memory_space<hbm>> -> memref<256x64xf32, #tpu.memory_space<hbm>>
          %dma_wait3A_669 = arith.constant 0 : i32
          %dma_wait3A_670 = tpu.memref_slice %arg4[%multiple_of3A_661, %dma_wait3A_669] : memref<819200x64xf32, #tpu.memory_space<hbm>> -> memref<256x64xf32, #tpu.memory_space<hbm>>
          %dma_wait3A_671 = arith.constant 0 : i32
          %dma_wait3A_672 = arith.constant 0 : i32
          %dma_wait3A_673 = tpu.memref_slice %arg6[%dma_wait3A_662, %dma_wait3A_671, %dma_wait3A_672] : memref<5x256x64xf32, #tpu.memory_space<vmem>> -> memref<1x256x64xf32, #tpu.memory_space<vmem>>
          %dma_wait3A_674 = tpu.memref_squeeze %dma_wait3A_673 : memref<1x256x64xf32, #tpu.memory_space<vmem>> -> memref<256x64xf32, #tpu.memory_space<vmem>>
          tpu.wait_dma2 semaphore(%arg17 : memref<!tpu.dma_semaphore, #tpu.memory_space<semaphore_mem>>) src(%dma_wait3A_674 : memref<256x64xf32, #tpu.memory_space<vmem>>) dst(%dma_wait3A_670 : memref<256x64xf32, #tpu.memory_space<hbm>>)
        } else {
        }
        %dma_start3A_628 = arith.constant 0 : i32
        %dma_start3A_629 = arith.constant 0 : i32
        %dma_start3A_630 = arith.constant 0 : i32
        %dma_start3A_631 = arith.constant 0 : i32
        %dma_start3A_632 = arith.constant 0 : i32
        %dma_start3A_633 = tpu.memref_slice %arg6[%dma_start3A_630, %dma_start3A_631, %dma_start3A_632] : memref<5x256x64xf32, #tpu.memory_space<vmem>> -> memref<1x128x64xf32, #tpu.memory_space<vmem>>
        %dma_start3A_634 = tpu.memref_squeeze %dma_start3A_633 : memref<1x128x64xf32, #tpu.memory_space<vmem>> -> memref<128x64xf32, #tpu.memory_space<vmem>>
        %dma_start3A_635 = arith.constant 0 : i32
        %dma_start3A_636 = tpu.memref_slice %arg5[%dma_start3A_628, %dma_start3A_629, %dma_start3A_635] : memref<5x2x128xi32, #tpu.memory_space<vmem>> -> memref<1x1x128xi32, #tpu.memory_space<vmem>>
        %dma_start3A_637 = tpu.memref_squeeze %dma_start3A_636 : memref<1x1x128xi32, #tpu.memory_space<vmem>> -> memref<128xi32, #tpu.memory_space<vmem>>
        %dma_start3A_638 = arith.constant 0 : i32
        %dma_start3A_639 = arith.constant 0 : i32
        %dma_start3A_640 = tpu.memref_slice %arg3[%dma_start3A_638, %dma_start3A_639] : memref<1000001x64xf32, #tpu.memory_space<hbm>> -> memref<1000001x64xf32, #tpu.memory_space<hbm>>
        tpu.enqueue_indirect_dma source(%dma_start3A_640 : memref<1000001x64xf32, #tpu.memory_space<hbm>>) target(%dma_start3A_634 : memref<128x64xf32, #tpu.memory_space<vmem>>) offsets(%dma_start3A_637 : memref<128xi32, #tpu.memory_space<vmem>>) semaphore(%arg12 : memref<!tpu.dma_semaphore, #tpu.memory_space<semaphore_mem>>)
        %dma_start3A_641 = arith.constant 0 : i32
        %dma_start3A_642 = arith.constant 1 : i32
        %dma_start3A_643 = arith.constant 0 : i32
        %dma_start3A_644 = arith.constant 128 : i32
        %dma_start3A_645 = arith.constant 0 : i32
        %dma_start3A_646 = tpu.memref_slice %arg6[%dma_start3A_643, %dma_start3A_644, %dma_start3A_645] : memref<5x256x64xf32, #tpu.memory_space<vmem>> -> memref<1x128x64xf32, #tpu.memory_space<vmem>>
        %dma_start3A_647 = tpu.memref_squeeze %dma_start3A_646 : memref<1x128x64xf32, #tpu.memory_space<vmem>> -> memref<128x64xf32, #tpu.memory_space<vmem>>
        %dma_start3A_648 = arith.constant 0 : i32
        %dma_start3A_649 = tpu.memref_slice %arg5[%dma_start3A_641, %dma_start3A_642, %dma_start3A_648] : memref<5x2x128xi32, #tpu.memory_space<vmem>> -> memref<1x1x128xi32, #tpu.memory_space<vmem>>
        %dma_start3A_650 = tpu.memref_squeeze %dma_start3A_649 : memref<1x1x128xi32, #tpu.memory_space<vmem>> -> memref<128xi32, #tpu.memory_space<vmem>>
        %dma_start3A_651 = arith.constant 0 : i32
        %dma_start3A_652 = arith.constant 0 : i32
        %dma_start3A_653 = tpu.memref_slice %arg3[%dma_start3A_651, %dma_start3A_652] : memref<1000001x64xf32, #tpu.memory_space<hbm>> -> memref<1000001x64xf32, #tpu.memory_space<hbm>>
        tpu.enqueue_indirect_dma source(%dma_start3A_653 : memref<1000001x64xf32, #tpu.memory_space<hbm>>) target(%dma_start3A_647 : memref<128x64xf32, #tpu.memory_space<vmem>>) offsets(%dma_start3A_650 : memref<128xi32, #tpu.memory_space<vmem>>) semaphore(%arg12 : memref<!tpu.dma_semaphore, #tpu.memory_space<semaphore_mem>>)
      } else {
      }
      %dma_wait3A_435 = arith.constant 2 : i32
      %dma_wait3A_436 = arith.constant 0 : i32
      %dma_wait3A_437 = arith.constant 2 : i32
      %dma_wait3A_438 = arith.constant 0 : i32
      %dma_wait3A_439 = arith.constant 0 : i32
      %dma_wait3A_440 = tpu.memref_slice %arg6[%dma_wait3A_437, %dma_wait3A_438, %dma_wait3A_439] : memref<5x256x64xf32, #tpu.memory_space<vmem>> -> memref<1x128x64xf32, #tpu.memory_space<vmem>>
      %dma_wait3A_441 = tpu.memref_squeeze %dma_wait3A_440 : memref<1x128x64xf32, #tpu.memory_space<vmem>> -> memref<128x64xf32, #tpu.memory_space<vmem>>
      %dma_wait3A_442 = arith.constant 0 : i32
      %dma_wait3A_443 = tpu.memref_slice %arg5[%dma_wait3A_435, %dma_wait3A_436, %dma_wait3A_442] : memref<5x2x128xi32, #tpu.memory_space<vmem>> -> memref<1x1x128xi32, #tpu.memory_space<vmem>>
      %dma_wait3A_444 = tpu.memref_squeeze %dma_wait3A_443 : memref<1x1x128xi32, #tpu.memory_space<vmem>> -> memref<128xi32, #tpu.memory_space<vmem>>
      %dma_wait3A_445 = arith.constant 0 : i32
      %dma_wait3A_446 = arith.constant 0 : i32
      %dma_wait3A_447 = tpu.memref_slice %arg3[%dma_wait3A_445, %dma_wait3A_446] : memref<1000001x64xf32, #tpu.memory_space<hbm>> -> memref<1000001x64xf32, #tpu.memory_space<hbm>>
      tpu.wait_indirect_dma semaphore(%arg14 : memref<!tpu.dma_semaphore, #tpu.memory_space<semaphore_mem>>) src(%dma_wait3A_447 : memref<1000001x64xf32, #tpu.memory_space<hbm>>) dst(%dma_wait3A_441 : memref<128x64xf32, #tpu.memory_space<vmem>>)
      %dma_wait3A_448 = arith.constant 2 : i32
      %dma_wait3A_449 = arith.constant 1 : i32
      %dma_wait3A_450 = arith.constant 2 : i32
      %dma_wait3A_451 = arith.constant 128 : i32
      %dma_wait3A_452 = arith.constant 0 : i32
      %dma_wait3A_453 = tpu.memref_slice %arg6[%dma_wait3A_450, %dma_wait3A_451, %dma_wait3A_452] : memref<5x256x64xf32, #tpu.memory_space<vmem>> -> memref<1x128x64xf32, #tpu.memory_space<vmem>>
      %dma_wait3A_454 = tpu.memref_squeeze %dma_wait3A_453 : memref<1x128x64xf32, #tpu.memory_space<vmem>> -> memref<128x64xf32, #tpu.memory_space<vmem>>
      %dma_wait3A_455 = arith.constant 0 : i32
      %dma_wait3A_456 = tpu.memref_slice %arg5[%dma_wait3A_448, %dma_wait3A_449, %dma_wait3A_455] : memref<5x2x128xi32, #tpu.memory_space<vmem>> -> memref<1x1x128xi32, #tpu.memory_space<vmem>>
      %dma_wait3A_457 = tpu.memref_squeeze %dma_wait3A_456 : memref<1x1x128xi32, #tpu.memory_space<vmem>> -> memref<128xi32, #tpu.memory_space<vmem>>
      %dma_wait3A_458 = arith.constant 0 : i32
      %dma_wait3A_459 = arith.constant 0 : i32
      %dma_wait3A_460 = tpu.memref_slice %arg3[%dma_wait3A_458, %dma_wait3A_459] : memref<1000001x64xf32, #tpu.memory_space<hbm>> -> memref<1000001x64xf32, #tpu.memory_space<hbm>>
      tpu.wait_indirect_dma semaphore(%arg14 : memref<!tpu.dma_semaphore, #tpu.memory_space<semaphore_mem>>) src(%dma_wait3A_460 : memref<1000001x64xf32, #tpu.memory_space<hbm>>) dst(%dma_wait3A_454 : memref<128x64xf32, #tpu.memory_space<vmem>>)
      %mul3A_461 = arith.constant 256 : i32
      %mul3A_462 = arith.muli %add3A_427, %mul3A_461 : i32
      %add3A_463 = arith.addi %mul3A_2, %mul3A_462 : i32
      %multiple_of3A_464 = tpu.assume_multiple %add3A_463, 256 : i32
      %dma_start3A_465 = arith.constant 2 : i32
      %dma_start3A_466 = arith.constant 0 : i32
      %dma_start3A_467 = arith.constant 0 : i32
      %dma_start3A_468 = tpu.memref_slice %arg6[%dma_start3A_465, %dma_start3A_466, %dma_start3A_467] : memref<5x256x64xf32, #tpu.memory_space<vmem>> -> memref<1x256x64xf32, #tpu.memory_space<vmem>>
      %dma_start3A_469 = tpu.memref_squeeze %dma_start3A_468 : memref<1x256x64xf32, #tpu.memory_space<vmem>> -> memref<256x64xf32, #tpu.memory_space<vmem>>
      %dma_start3A_470 = arith.constant 0 : i32
      %dma_start3A_471 = tpu.memref_slice %arg4[%multiple_of3A_464, %dma_start3A_470] : memref<819200x64xf32, #tpu.memory_space<hbm>> -> memref<256x64xf32, #tpu.memory_space<hbm>>
      %dma_start3A_472 = arith.constant 0 : i32
      %dma_start3A_473 = tpu.memref_slice %arg4[%multiple_of3A_464, %dma_start3A_472] : memref<819200x64xf32, #tpu.memory_space<hbm>> -> memref<256x64xf32, #tpu.memory_space<hbm>>
      %dma_start3A_474 = arith.constant 0 : i32
      %dma_start3A_475 = arith.constant 0 : i32
      %dma_start3A_476 = tpu.memref_slice %arg6[%dma_start3A_465, %dma_start3A_474, %dma_start3A_475] : memref<5x256x64xf32, #tpu.memory_space<vmem>> -> memref<1x256x64xf32, #tpu.memory_space<vmem>>
      %dma_start3A_477 = tpu.memref_squeeze %dma_start3A_476 : memref<1x256x64xf32, #tpu.memory_space<vmem>> -> memref<256x64xf32, #tpu.memory_space<vmem>>
      tpu.enqueue_dma source(%dma_start3A_477 : memref<256x64xf32, #tpu.memory_space<vmem>>) target(%dma_start3A_473 : memref<256x64xf32, #tpu.memory_space<hbm>>) target_semaphore(%arg19 : memref<!tpu.dma_semaphore, #tpu.memory_space<semaphore_mem>>)
      %add3A_478 = arith.constant 5 : i32
      %add3A_479 = arith.addi %add3A_427, %add3A_478 : i32
      %lt3A_480 = arith.constant 100 : i32
      %lt3A_481 = arith.cmpi slt, %add3A_479, %lt3A_480 : i32
      %convert_element_type3A_482 = arith.extui %lt3A_481 : i1 to i32
      %cond3A_483 = arith.constant 0 : i32
      %cond3A_484 = arith.cmpi ne, %convert_element_type3A_482, %cond3A_483 : i32
      scf.if %cond3A_484 {
        %add3A_603 = arith.constant 5 : i32
        %add3A_604 = arith.addi %add3A_427, %add3A_603 : i32
        %mul3A_605 = arith.constant 2 : i32
        %mul3A_606 = arith.muli %add3A_604, %mul3A_605 : i32
        %add3A_607 = arith.addi %select_n3A, %mul3A_606 : i32
        %multiple_of3A_608 = tpu.assume_multiple %add3A_607, 2 : i32
        %dma_start3A_609 = arith.constant 2 : i32
        %dma_start3A_610 = arith.constant 0 : i32
        %dma_start3A_611 = arith.constant 0 : i32
        %dma_start3A_612 = tpu.memref_slice %arg5[%dma_start3A_609, %dma_start3A_610, %dma_start3A_611] : memref<5x2x128xi32, #tpu.memory_space<vmem>> -> memref<1x2x128xi32, #tpu.memory_space<vmem>>
        %dma_start3A_613 = tpu.memref_squeeze %dma_start3A_612 : memref<1x2x128xi32, #tpu.memory_space<vmem>> -> memref<2x128xi32, #tpu.memory_space<vmem>>
        %dma_start3A_614 = arith.constant 0 : i32
        %dma_start3A_615 = tpu.memref_slice %arg2[%multiple_of3A_608, %dma_start3A_614] : memref<6400x128xi32, #tpu.memory_space<hbm>> -> memref<2x128xi32, #tpu.memory_space<hbm>>
        %dma_start3A_616 = arith.constant 0 : i32
        %dma_start3A_617 = arith.constant 0 : i32
        %dma_start3A_618 = tpu.memref_slice %arg5[%dma_start3A_609, %dma_start3A_616, %dma_start3A_617] : memref<5x2x128xi32, #tpu.memory_space<vmem>> -> memref<1x2x128xi32, #tpu.memory_space<vmem>>
        %dma_start3A_619 = tpu.memref_squeeze %dma_start3A_618 : memref<1x2x128xi32, #tpu.memory_space<vmem>> -> memref<2x128xi32, #tpu.memory_space<vmem>>
        %dma_start3A_620 = arith.constant 0 : i32
        %dma_start3A_621 = tpu.memref_slice %arg2[%multiple_of3A_608, %dma_start3A_620] : memref<6400x128xi32, #tpu.memory_space<hbm>> -> memref<2x128xi32, #tpu.memory_space<hbm>>
        tpu.enqueue_dma source(%dma_start3A_621 : memref<2x128xi32, #tpu.memory_space<hbm>>) target(%dma_start3A_619 : memref<2x128xi32, #tpu.memory_space<vmem>>) target_semaphore(%arg9 : memref<!tpu.dma_semaphore, #tpu.memory_space<semaphore_mem>>)
      } else {
      }
      %add3A_485 = arith.constant 3 : i32
      %add3A_486 = arith.addi %add3A_310, %add3A_485 : i32
      %add3A_487 = arith.constant 3 : i32
      %add3A_488 = arith.addi %add3A_486, %add3A_487 : i32
      %lt3A_489 = arith.constant 100 : i32
      %lt3A_490 = arith.cmpi slt, %add3A_488, %lt3A_489 : i32
      %convert_element_type3A_491 = arith.extui %lt3A_490 : i1 to i32
      %cond3A_492 = arith.constant 0 : i32
      %cond3A_493 = arith.cmpi ne, %convert_element_type3A_491, %cond3A_492 : i32
      scf.if %cond3A_493 {
        %add3A_603 = arith.constant 3 : i32
        %add3A_604 = arith.addi %add3A_486, %add3A_603 : i32
        %mul3A_605 = arith.constant 2 : i32
        %mul3A_606 = arith.muli %add3A_604, %mul3A_605 : i32
        %add3A_607 = arith.addi %select_n3A, %mul3A_606 : i32
        %multiple_of3A_608 = tpu.assume_multiple %add3A_607, 2 : i32
        %dma_wait3A_609 = arith.constant 1 : i32
        %dma_wait3A_610 = arith.constant 0 : i32
        %dma_wait3A_611 = arith.constant 0 : i32
        %dma_wait3A_612 = tpu.memref_slice %arg5[%dma_wait3A_609, %dma_wait3A_610, %dma_wait3A_611] : memref<5x2x128xi32, #tpu.memory_space<vmem>> -> memref<1x2x128xi32, #tpu.memory_space<vmem>>
        %dma_wait3A_613 = tpu.memref_squeeze %dma_wait3A_612 : memref<1x2x128xi32, #tpu.memory_space<vmem>> -> memref<2x128xi32, #tpu.memory_space<vmem>>
        %dma_wait3A_614 = arith.constant 0 : i32
        %dma_wait3A_615 = tpu.memref_slice %arg2[%multiple_of3A_608, %dma_wait3A_614] : memref<6400x128xi32, #tpu.memory_space<hbm>> -> memref<2x128xi32, #tpu.memory_space<hbm>>
        %dma_wait3A_616 = arith.constant 0 : i32
        %dma_wait3A_617 = arith.constant 0 : i32
        %dma_wait3A_618 = tpu.memref_slice %arg5[%dma_wait3A_609, %dma_wait3A_616, %dma_wait3A_617] : memref<5x2x128xi32, #tpu.memory_space<vmem>> -> memref<1x2x128xi32, #tpu.memory_space<vmem>>
        %dma_wait3A_619 = tpu.memref_squeeze %dma_wait3A_618 : memref<1x2x128xi32, #tpu.memory_space<vmem>> -> memref<2x128xi32, #tpu.memory_space<vmem>>
        %dma_wait3A_620 = arith.constant 0 : i32
        %dma_wait3A_621 = tpu.memref_slice %arg2[%multiple_of3A_608, %dma_wait3A_620] : memref<6400x128xi32, #tpu.memory_space<hbm>> -> memref<2x128xi32, #tpu.memory_space<hbm>>
        tpu.wait_dma2 semaphore(%arg8 : memref<!tpu.dma_semaphore, #tpu.memory_space<semaphore_mem>>) src(%dma_wait3A_621 : memref<2x128xi32, #tpu.memory_space<hbm>>) dst(%dma_wait3A_619 : memref<2x128xi32, #tpu.memory_space<vmem>>)
        %add3A_622 = arith.constant 3 : i32
        %add3A_623 = arith.addi %add3A_486, %add3A_622 : i32
        %ge3A = arith.constant 5 : i32
        %ge3A_624 = arith.cmpi sge, %add3A_623, %ge3A : i32
        %convert_element_type3A_625 = arith.extui %ge3A_624 : i1 to i32
        %cond3A_626 = arith.constant 0 : i32
        %cond3A_627 = arith.cmpi ne, %convert_element_type3A_625, %cond3A_626 : i32
        scf.if %cond3A_627 {
          %add3A_654 = arith.constant 3 : i32
          %add3A_655 = arith.addi %add3A_486, %add3A_654 : i32
          %sub3A_656 = arith.constant 5 : i32
          %sub3A_657 = arith.subi %add3A_655, %sub3A_656 : i32
          %mul3A_658 = arith.constant 256 : i32
          %mul3A_659 = arith.muli %sub3A_657, %mul3A_658 : i32
          %add3A_660 = arith.addi %mul3A_2, %mul3A_659 : i32
          %multiple_of3A_661 = tpu.assume_multiple %add3A_660, 256 : i32
          %dma_wait3A_662 = arith.constant 1 : i32
          %dma_wait3A_663 = arith.constant 0 : i32
          %dma_wait3A_664 = arith.constant 0 : i32
          %dma_wait3A_665 = tpu.memref_slice %arg6[%dma_wait3A_662, %dma_wait3A_663, %dma_wait3A_664] : memref<5x256x64xf32, #tpu.memory_space<vmem>> -> memref<1x256x64xf32, #tpu.memory_space<vmem>>
          %dma_wait3A_666 = tpu.memref_squeeze %dma_wait3A_665 : memref<1x256x64xf32, #tpu.memory_space<vmem>> -> memref<256x64xf32, #tpu.memory_space<vmem>>
          %dma_wait3A_667 = arith.constant 0 : i32
          %dma_wait3A_668 = tpu.memref_slice %arg4[%multiple_of3A_661, %dma_wait3A_667] : memref<819200x64xf32, #tpu.memory_space<hbm>> -> memref<256x64xf32, #tpu.memory_space<hbm>>
          %dma_wait3A_669 = arith.constant 0 : i32
          %dma_wait3A_670 = tpu.memref_slice %arg4[%multiple_of3A_661, %dma_wait3A_669] : memref<819200x64xf32, #tpu.memory_space<hbm>> -> memref<256x64xf32, #tpu.memory_space<hbm>>
          %dma_wait3A_671 = arith.constant 0 : i32
          %dma_wait3A_672 = arith.constant 0 : i32
          %dma_wait3A_673 = tpu.memref_slice %arg6[%dma_wait3A_662, %dma_wait3A_671, %dma_wait3A_672] : memref<5x256x64xf32, #tpu.memory_space<vmem>> -> memref<1x256x64xf32, #tpu.memory_space<vmem>>
          %dma_wait3A_674 = tpu.memref_squeeze %dma_wait3A_673 : memref<1x256x64xf32, #tpu.memory_space<vmem>> -> memref<256x64xf32, #tpu.memory_space<vmem>>
          tpu.wait_dma2 semaphore(%arg18 : memref<!tpu.dma_semaphore, #tpu.memory_space<semaphore_mem>>) src(%dma_wait3A_674 : memref<256x64xf32, #tpu.memory_space<vmem>>) dst(%dma_wait3A_670 : memref<256x64xf32, #tpu.memory_space<hbm>>)
        } else {
        }
        %dma_start3A_628 = arith.constant 1 : i32
        %dma_start3A_629 = arith.constant 0 : i32
        %dma_start3A_630 = arith.constant 1 : i32
        %dma_start3A_631 = arith.constant 0 : i32
        %dma_start3A_632 = arith.constant 0 : i32
        %dma_start3A_633 = tpu.memref_slice %arg6[%dma_start3A_630, %dma_start3A_631, %dma_start3A_632] : memref<5x256x64xf32, #tpu.memory_space<vmem>> -> memref<1x128x64xf32, #tpu.memory_space<vmem>>
        %dma_start3A_634 = tpu.memref_squeeze %dma_start3A_633 : memref<1x128x64xf32, #tpu.memory_space<vmem>> -> memref<128x64xf32, #tpu.memory_space<vmem>>
        %dma_start3A_635 = arith.constant 0 : i32
        %dma_start3A_636 = tpu.memref_slice %arg5[%dma_start3A_628, %dma_start3A_629, %dma_start3A_635] : memref<5x2x128xi32, #tpu.memory_space<vmem>> -> memref<1x1x128xi32, #tpu.memory_space<vmem>>
        %dma_start3A_637 = tpu.memref_squeeze %dma_start3A_636 : memref<1x1x128xi32, #tpu.memory_space<vmem>> -> memref<128xi32, #tpu.memory_space<vmem>>
        %dma_start3A_638 = arith.constant 0 : i32
        %dma_start3A_639 = arith.constant 0 : i32
        %dma_start3A_640 = tpu.memref_slice %arg3[%dma_start3A_638, %dma_start3A_639] : memref<1000001x64xf32, #tpu.memory_space<hbm>> -> memref<1000001x64xf32, #tpu.memory_space<hbm>>
        tpu.enqueue_indirect_dma source(%dma_start3A_640 : memref<1000001x64xf32, #tpu.memory_space<hbm>>) target(%dma_start3A_634 : memref<128x64xf32, #tpu.memory_space<vmem>>) offsets(%dma_start3A_637 : memref<128xi32, #tpu.memory_space<vmem>>) semaphore(%arg13 : memref<!tpu.dma_semaphore, #tpu.memory_space<semaphore_mem>>)
        %dma_start3A_641 = arith.constant 1 : i32
        %dma_start3A_642 = arith.constant 1 : i32
        %dma_start3A_643 = arith.constant 1 : i32
        %dma_start3A_644 = arith.constant 128 : i32
        %dma_start3A_645 = arith.constant 0 : i32
        %dma_start3A_646 = tpu.memref_slice %arg6[%dma_start3A_643, %dma_start3A_644, %dma_start3A_645] : memref<5x256x64xf32, #tpu.memory_space<vmem>> -> memref<1x128x64xf32, #tpu.memory_space<vmem>>
        %dma_start3A_647 = tpu.memref_squeeze %dma_start3A_646 : memref<1x128x64xf32, #tpu.memory_space<vmem>> -> memref<128x64xf32, #tpu.memory_space<vmem>>
        %dma_start3A_648 = arith.constant 0 : i32
        %dma_start3A_649 = tpu.memref_slice %arg5[%dma_start3A_641, %dma_start3A_642, %dma_start3A_648] : memref<5x2x128xi32, #tpu.memory_space<vmem>> -> memref<1x1x128xi32, #tpu.memory_space<vmem>>
        %dma_start3A_650 = tpu.memref_squeeze %dma_start3A_649 : memref<1x1x128xi32, #tpu.memory_space<vmem>> -> memref<128xi32, #tpu.memory_space<vmem>>
        %dma_start3A_651 = arith.constant 0 : i32
        %dma_start3A_652 = arith.constant 0 : i32
        %dma_start3A_653 = tpu.memref_slice %arg3[%dma_start3A_651, %dma_start3A_652] : memref<1000001x64xf32, #tpu.memory_space<hbm>> -> memref<1000001x64xf32, #tpu.memory_space<hbm>>
        tpu.enqueue_indirect_dma source(%dma_start3A_653 : memref<1000001x64xf32, #tpu.memory_space<hbm>>) target(%dma_start3A_647 : memref<128x64xf32, #tpu.memory_space<vmem>>) offsets(%dma_start3A_650 : memref<128xi32, #tpu.memory_space<vmem>>) semaphore(%arg13 : memref<!tpu.dma_semaphore, #tpu.memory_space<semaphore_mem>>)
      } else {
      }
      %dma_wait3A_494 = arith.constant 3 : i32
      %dma_wait3A_495 = arith.constant 0 : i32
      %dma_wait3A_496 = arith.constant 3 : i32
      %dma_wait3A_497 = arith.constant 0 : i32
      %dma_wait3A_498 = arith.constant 0 : i32
      %dma_wait3A_499 = tpu.memref_slice %arg6[%dma_wait3A_496, %dma_wait3A_497, %dma_wait3A_498] : memref<5x256x64xf32, #tpu.memory_space<vmem>> -> memref<1x128x64xf32, #tpu.memory_space<vmem>>
      %dma_wait3A_500 = tpu.memref_squeeze %dma_wait3A_499 : memref<1x128x64xf32, #tpu.memory_space<vmem>> -> memref<128x64xf32, #tpu.memory_space<vmem>>
      %dma_wait3A_501 = arith.constant 0 : i32
      %dma_wait3A_502 = tpu.memref_slice %arg5[%dma_wait3A_494, %dma_wait3A_495, %dma_wait3A_501] : memref<5x2x128xi32, #tpu.memory_space<vmem>> -> memref<1x1x128xi32, #tpu.memory_space<vmem>>
      %dma_wait3A_503 = tpu.memref_squeeze %dma_wait3A_502 : memref<1x1x128xi32, #tpu.memory_space<vmem>> -> memref<128xi32, #tpu.memory_space<vmem>>
      %dma_wait3A_504 = arith.constant 0 : i32
      %dma_wait3A_505 = arith.constant 0 : i32
      %dma_wait3A_506 = tpu.memref_slice %arg3[%dma_wait3A_504, %dma_wait3A_505] : memref<1000001x64xf32, #tpu.memory_space<hbm>> -> memref<1000001x64xf32, #tpu.memory_space<hbm>>
      tpu.wait_indirect_dma semaphore(%arg15 : memref<!tpu.dma_semaphore, #tpu.memory_space<semaphore_mem>>) src(%dma_wait3A_506 : memref<1000001x64xf32, #tpu.memory_space<hbm>>) dst(%dma_wait3A_500 : memref<128x64xf32, #tpu.memory_space<vmem>>)
      %dma_wait3A_507 = arith.constant 3 : i32
      %dma_wait3A_508 = arith.constant 1 : i32
      %dma_wait3A_509 = arith.constant 3 : i32
      %dma_wait3A_510 = arith.constant 128 : i32
      %dma_wait3A_511 = arith.constant 0 : i32
      %dma_wait3A_512 = tpu.memref_slice %arg6[%dma_wait3A_509, %dma_wait3A_510, %dma_wait3A_511] : memref<5x256x64xf32, #tpu.memory_space<vmem>> -> memref<1x128x64xf32, #tpu.memory_space<vmem>>
      %dma_wait3A_513 = tpu.memref_squeeze %dma_wait3A_512 : memref<1x128x64xf32, #tpu.memory_space<vmem>> -> memref<128x64xf32, #tpu.memory_space<vmem>>
      %dma_wait3A_514 = arith.constant 0 : i32
      %dma_wait3A_515 = tpu.memref_slice %arg5[%dma_wait3A_507, %dma_wait3A_508, %dma_wait3A_514] : memref<5x2x128xi32, #tpu.memory_space<vmem>> -> memref<1x1x128xi32, #tpu.memory_space<vmem>>
      %dma_wait3A_516 = tpu.memref_squeeze %dma_wait3A_515 : memref<1x1x128xi32, #tpu.memory_space<vmem>> -> memref<128xi32, #tpu.memory_space<vmem>>
      %dma_wait3A_517 = arith.constant 0 : i32
      %dma_wait3A_518 = arith.constant 0 : i32
      %dma_wait3A_519 = tpu.memref_slice %arg3[%dma_wait3A_517, %dma_wait3A_518] : memref<1000001x64xf32, #tpu.memory_space<hbm>> -> memref<1000001x64xf32, #tpu.memory_space<hbm>>
      tpu.wait_indirect_dma semaphore(%arg15 : memref<!tpu.dma_semaphore, #tpu.memory_space<semaphore_mem>>) src(%dma_wait3A_519 : memref<1000001x64xf32, #tpu.memory_space<hbm>>) dst(%dma_wait3A_513 : memref<128x64xf32, #tpu.memory_space<vmem>>)
      %mul3A_520 = arith.constant 256 : i32
      %mul3A_521 = arith.muli %add3A_486, %mul3A_520 : i32
      %add3A_522 = arith.addi %mul3A_2, %mul3A_521 : i32
      %multiple_of3A_523 = tpu.assume_multiple %add3A_522, 256 : i32
      %dma_start3A_524 = arith.constant 3 : i32
      %dma_start3A_525 = arith.constant 0 : i32
      %dma_start3A_526 = arith.constant 0 : i32
      %dma_start3A_527 = tpu.memref_slice %arg6[%dma_start3A_524, %dma_start3A_525, %dma_start3A_526] : memref<5x256x64xf32, #tpu.memory_space<vmem>> -> memref<1x256x64xf32, #tpu.memory_space<vmem>>
      %dma_start3A_528 = tpu.memref_squeeze %dma_start3A_527 : memref<1x256x64xf32, #tpu.memory_space<vmem>> -> memref<256x64xf32, #tpu.memory_space<vmem>>
      %dma_start3A_529 = arith.constant 0 : i32
      %dma_start3A_530 = tpu.memref_slice %arg4[%multiple_of3A_523, %dma_start3A_529] : memref<819200x64xf32, #tpu.memory_space<hbm>> -> memref<256x64xf32, #tpu.memory_space<hbm>>
      %dma_start3A_531 = arith.constant 0 : i32
      %dma_start3A_532 = tpu.memref_slice %arg4[%multiple_of3A_523, %dma_start3A_531] : memref<819200x64xf32, #tpu.memory_space<hbm>> -> memref<256x64xf32, #tpu.memory_space<hbm>>
      %dma_start3A_533 = arith.constant 0 : i32
      %dma_start3A_534 = arith.constant 0 : i32
      %dma_start3A_535 = tpu.memref_slice %arg6[%dma_start3A_524, %dma_start3A_533, %dma_start3A_534] : memref<5x256x64xf32, #tpu.memory_space<vmem>> -> memref<1x256x64xf32, #tpu.memory_space<vmem>>
      %dma_start3A_536 = tpu.memref_squeeze %dma_start3A_535 : memref<1x256x64xf32, #tpu.memory_space<vmem>> -> memref<256x64xf32, #tpu.memory_space<vmem>>
      tpu.enqueue_dma source(%dma_start3A_536 : memref<256x64xf32, #tpu.memory_space<vmem>>) target(%dma_start3A_532 : memref<256x64xf32, #tpu.memory_space<hbm>>) target_semaphore(%arg20 : memref<!tpu.dma_semaphore, #tpu.memory_space<semaphore_mem>>)
      %add3A_537 = arith.constant 5 : i32
      %add3A_538 = arith.addi %add3A_486, %add3A_537 : i32
      %lt3A_539 = arith.constant 100 : i32
      %lt3A_540 = arith.cmpi slt, %add3A_538, %lt3A_539 : i32
      %convert_element_type3A_541 = arith.extui %lt3A_540 : i1 to i32
      %cond3A_542 = arith.constant 0 : i32
      %cond3A_543 = arith.cmpi ne, %convert_element_type3A_541, %cond3A_542 : i32
      scf.if %cond3A_543 {
        %add3A_603 = arith.constant 5 : i32
        %add3A_604 = arith.addi %add3A_486, %add3A_603 : i32
        %mul3A_605 = arith.constant 2 : i32
        %mul3A_606 = arith.muli %add3A_604, %mul3A_605 : i32
        %add3A_607 = arith.addi %select_n3A, %mul3A_606 : i32
        %multiple_of3A_608 = tpu.assume_multiple %add3A_607, 2 : i32
        %dma_start3A_609 = arith.constant 3 : i32
        %dma_start3A_610 = arith.constant 0 : i32
        %dma_start3A_611 = arith.constant 0 : i32
        %dma_start3A_612 = tpu.memref_slice %arg5[%dma_start3A_609, %dma_start3A_610, %dma_start3A_611] : memref<5x2x128xi32, #tpu.memory_space<vmem>> -> memref<1x2x128xi32, #tpu.memory_space<vmem>>
        %dma_start3A_613 = tpu.memref_squeeze %dma_start3A_612 : memref<1x2x128xi32, #tpu.memory_space<vmem>> -> memref<2x128xi32, #tpu.memory_space<vmem>>
        %dma_start3A_614 = arith.constant 0 : i32
        %dma_start3A_615 = tpu.memref_slice %arg2[%multiple_of3A_608, %dma_start3A_614] : memref<6400x128xi32, #tpu.memory_space<hbm>> -> memref<2x128xi32, #tpu.memory_space<hbm>>
        %dma_start3A_616 = arith.constant 0 : i32
        %dma_start3A_617 = arith.constant 0 : i32
        %dma_start3A_618 = tpu.memref_slice %arg5[%dma_start3A_609, %dma_start3A_616, %dma_start3A_617] : memref<5x2x128xi32, #tpu.memory_space<vmem>> -> memref<1x2x128xi32, #tpu.memory_space<vmem>>
        %dma_start3A_619 = tpu.memref_squeeze %dma_start3A_618 : memref<1x2x128xi32, #tpu.memory_space<vmem>> -> memref<2x128xi32, #tpu.memory_space<vmem>>
        %dma_start3A_620 = arith.constant 0 : i32
        %dma_start3A_621 = tpu.memref_slice %arg2[%multiple_of3A_608, %dma_start3A_620] : memref<6400x128xi32, #tpu.memory_space<hbm>> -> memref<2x128xi32, #tpu.memory_space<hbm>>
        tpu.enqueue_dma source(%dma_start3A_621 : memref<2x128xi32, #tpu.memory_space<hbm>>) target(%dma_start3A_619 : memref<2x128xi32, #tpu.memory_space<vmem>>) target_semaphore(%arg10 : memref<!tpu.dma_semaphore, #tpu.memory_space<semaphore_mem>>)
      } else {
      }
      %add3A_544 = arith.constant 4 : i32
      %add3A_545 = arith.addi %add3A_310, %add3A_544 : i32
      %add3A_546 = arith.constant 3 : i32
      %add3A_547 = arith.addi %add3A_545, %add3A_546 : i32
      %lt3A_548 = arith.constant 100 : i32
      %lt3A_549 = arith.cmpi slt, %add3A_547, %lt3A_548 : i32
      %convert_element_type3A_550 = arith.extui %lt3A_549 : i1 to i32
      %cond3A_551 = arith.constant 0 : i32
      %cond3A_552 = arith.cmpi ne, %convert_element_type3A_550, %cond3A_551 : i32
      scf.if %cond3A_552 {
        %add3A_603 = arith.constant 3 : i32
        %add3A_604 = arith.addi %add3A_545, %add3A_603 : i32
        %mul3A_605 = arith.constant 2 : i32
        %mul3A_606 = arith.muli %add3A_604, %mul3A_605 : i32
        %add3A_607 = arith.addi %select_n3A, %mul3A_606 : i32
        %multiple_of3A_608 = tpu.assume_multiple %add3A_607, 2 : i32
        %dma_wait3A_609 = arith.constant 2 : i32
        %dma_wait3A_610 = arith.constant 0 : i32
        %dma_wait3A_611 = arith.constant 0 : i32
        %dma_wait3A_612 = tpu.memref_slice %arg5[%dma_wait3A_609, %dma_wait3A_610, %dma_wait3A_611] : memref<5x2x128xi32, #tpu.memory_space<vmem>> -> memref<1x2x128xi32, #tpu.memory_space<vmem>>
        %dma_wait3A_613 = tpu.memref_squeeze %dma_wait3A_612 : memref<1x2x128xi32, #tpu.memory_space<vmem>> -> memref<2x128xi32, #tpu.memory_space<vmem>>
        %dma_wait3A_614 = arith.constant 0 : i32
        %dma_wait3A_615 = tpu.memref_slice %arg2[%multiple_of3A_608, %dma_wait3A_614] : memref<6400x128xi32, #tpu.memory_space<hbm>> -> memref<2x128xi32, #tpu.memory_space<hbm>>
        %dma_wait3A_616 = arith.constant 0 : i32
        %dma_wait3A_617 = arith.constant 0 : i32
        %dma_wait3A_618 = tpu.memref_slice %arg5[%dma_wait3A_609, %dma_wait3A_616, %dma_wait3A_617] : memref<5x2x128xi32, #tpu.memory_space<vmem>> -> memref<1x2x128xi32, #tpu.memory_space<vmem>>
        %dma_wait3A_619 = tpu.memref_squeeze %dma_wait3A_618 : memref<1x2x128xi32, #tpu.memory_space<vmem>> -> memref<2x128xi32, #tpu.memory_space<vmem>>
        %dma_wait3A_620 = arith.constant 0 : i32
        %dma_wait3A_621 = tpu.memref_slice %arg2[%multiple_of3A_608, %dma_wait3A_620] : memref<6400x128xi32, #tpu.memory_space<hbm>> -> memref<2x128xi32, #tpu.memory_space<hbm>>
        tpu.wait_dma2 semaphore(%arg9 : memref<!tpu.dma_semaphore, #tpu.memory_space<semaphore_mem>>) src(%dma_wait3A_621 : memref<2x128xi32, #tpu.memory_space<hbm>>) dst(%dma_wait3A_619 : memref<2x128xi32, #tpu.memory_space<vmem>>)
        %add3A_622 = arith.constant 3 : i32
        %add3A_623 = arith.addi %add3A_545, %add3A_622 : i32
        %ge3A = arith.constant 5 : i32
        %ge3A_624 = arith.cmpi sge, %add3A_623, %ge3A : i32
        %convert_element_type3A_625 = arith.extui %ge3A_624 : i1 to i32
        %cond3A_626 = arith.constant 0 : i32
        %cond3A_627 = arith.cmpi ne, %convert_element_type3A_625, %cond3A_626 : i32
        scf.if %cond3A_627 {
          %add3A_654 = arith.constant 3 : i32
          %add3A_655 = arith.addi %add3A_545, %add3A_654 : i32
          %sub3A_656 = arith.constant 5 : i32
          %sub3A_657 = arith.subi %add3A_655, %sub3A_656 : i32
          %mul3A_658 = arith.constant 256 : i32
          %mul3A_659 = arith.muli %sub3A_657, %mul3A_658 : i32
          %add3A_660 = arith.addi %mul3A_2, %mul3A_659 : i32
          %multiple_of3A_661 = tpu.assume_multiple %add3A_660, 256 : i32
          %dma_wait3A_662 = arith.constant 2 : i32
          %dma_wait3A_663 = arith.constant 0 : i32
          %dma_wait3A_664 = arith.constant 0 : i32
          %dma_wait3A_665 = tpu.memref_slice %arg6[%dma_wait3A_662, %dma_wait3A_663, %dma_wait3A_664] : memref<5x256x64xf32, #tpu.memory_space<vmem>> -> memref<1x256x64xf32, #tpu.memory_space<vmem>>
          %dma_wait3A_666 = tpu.memref_squeeze %dma_wait3A_665 : memref<1x256x64xf32, #tpu.memory_space<vmem>> -> memref<256x64xf32, #tpu.memory_space<vmem>>
          %dma_wait3A_667 = arith.constant 0 : i32
          %dma_wait3A_668 = tpu.memref_slice %arg4[%multiple_of3A_661, %dma_wait3A_667] : memref<819200x64xf32, #tpu.memory_space<hbm>> -> memref<256x64xf32, #tpu.memory_space<hbm>>
          %dma_wait3A_669 = arith.constant 0 : i32
          %dma_wait3A_670 = tpu.memref_slice %arg4[%multiple_of3A_661, %dma_wait3A_669] : memref<819200x64xf32, #tpu.memory_space<hbm>> -> memref<256x64xf32, #tpu.memory_space<hbm>>
          %dma_wait3A_671 = arith.constant 0 : i32
          %dma_wait3A_672 = arith.constant 0 : i32
          %dma_wait3A_673 = tpu.memref_slice %arg6[%dma_wait3A_662, %dma_wait3A_671, %dma_wait3A_672] : memref<5x256x64xf32, #tpu.memory_space<vmem>> -> memref<1x256x64xf32, #tpu.memory_space<vmem>>
          %dma_wait3A_674 = tpu.memref_squeeze %dma_wait3A_673 : memref<1x256x64xf32, #tpu.memory_space<vmem>> -> memref<256x64xf32, #tpu.memory_space<vmem>>
          tpu.wait_dma2 semaphore(%arg19 : memref<!tpu.dma_semaphore, #tpu.memory_space<semaphore_mem>>) src(%dma_wait3A_674 : memref<256x64xf32, #tpu.memory_space<vmem>>) dst(%dma_wait3A_670 : memref<256x64xf32, #tpu.memory_space<hbm>>)
        } else {
        }
        %dma_start3A_628 = arith.constant 2 : i32
        %dma_start3A_629 = arith.constant 0 : i32
        %dma_start3A_630 = arith.constant 2 : i32
        %dma_start3A_631 = arith.constant 0 : i32
        %dma_start3A_632 = arith.constant 0 : i32
        %dma_start3A_633 = tpu.memref_slice %arg6[%dma_start3A_630, %dma_start3A_631, %dma_start3A_632] : memref<5x256x64xf32, #tpu.memory_space<vmem>> -> memref<1x128x64xf32, #tpu.memory_space<vmem>>
        %dma_start3A_634 = tpu.memref_squeeze %dma_start3A_633 : memref<1x128x64xf32, #tpu.memory_space<vmem>> -> memref<128x64xf32, #tpu.memory_space<vmem>>
        %dma_start3A_635 = arith.constant 0 : i32
        %dma_start3A_636 = tpu.memref_slice %arg5[%dma_start3A_628, %dma_start3A_629, %dma_start3A_635] : memref<5x2x128xi32, #tpu.memory_space<vmem>> -> memref<1x1x128xi32, #tpu.memory_space<vmem>>
        %dma_start3A_637 = tpu.memref_squeeze %dma_start3A_636 : memref<1x1x128xi32, #tpu.memory_space<vmem>> -> memref<128xi32, #tpu.memory_space<vmem>>
        %dma_start3A_638 = arith.constant 0 : i32
        %dma_start3A_639 = arith.constant 0 : i32
        %dma_start3A_640 = tpu.memref_slice %arg3[%dma_start3A_638, %dma_start3A_639] : memref<1000001x64xf32, #tpu.memory_space<hbm>> -> memref<1000001x64xf32, #tpu.memory_space<hbm>>
        tpu.enqueue_indirect_dma source(%dma_start3A_640 : memref<1000001x64xf32, #tpu.memory_space<hbm>>) target(%dma_start3A_634 : memref<128x64xf32, #tpu.memory_space<vmem>>) offsets(%dma_start3A_637 : memref<128xi32, #tpu.memory_space<vmem>>) semaphore(%arg14 : memref<!tpu.dma_semaphore, #tpu.memory_space<semaphore_mem>>)
        %dma_start3A_641 = arith.constant 2 : i32
        %dma_start3A_642 = arith.constant 1 : i32
        %dma_start3A_643 = arith.constant 2 : i32
        %dma_start3A_644 = arith.constant 128 : i32
        %dma_start3A_645 = arith.constant 0 : i32
        %dma_start3A_646 = tpu.memref_slice %arg6[%dma_start3A_643, %dma_start3A_644, %dma_start3A_645] : memref<5x256x64xf32, #tpu.memory_space<vmem>> -> memref<1x128x64xf32, #tpu.memory_space<vmem>>
        %dma_start3A_647 = tpu.memref_squeeze %dma_start3A_646 : memref<1x128x64xf32, #tpu.memory_space<vmem>> -> memref<128x64xf32, #tpu.memory_space<vmem>>
        %dma_start3A_648 = arith.constant 0 : i32
        %dma_start3A_649 = tpu.memref_slice %arg5[%dma_start3A_641, %dma_start3A_642, %dma_start3A_648] : memref<5x2x128xi32, #tpu.memory_space<vmem>> -> memref<1x1x128xi32, #tpu.memory_space<vmem>>
        %dma_start3A_650 = tpu.memref_squeeze %dma_start3A_649 : memref<1x1x128xi32, #tpu.memory_space<vmem>> -> memref<128xi32, #tpu.memory_space<vmem>>
        %dma_start3A_651 = arith.constant 0 : i32
        %dma_start3A_652 = arith.constant 0 : i32
        %dma_start3A_653 = tpu.memref_slice %arg3[%dma_start3A_651, %dma_start3A_652] : memref<1000001x64xf32, #tpu.memory_space<hbm>> -> memref<1000001x64xf32, #tpu.memory_space<hbm>>
        tpu.enqueue_indirect_dma source(%dma_start3A_653 : memref<1000001x64xf32, #tpu.memory_space<hbm>>) target(%dma_start3A_647 : memref<128x64xf32, #tpu.memory_space<vmem>>) offsets(%dma_start3A_650 : memref<128xi32, #tpu.memory_space<vmem>>) semaphore(%arg14 : memref<!tpu.dma_semaphore, #tpu.memory_space<semaphore_mem>>)
      } else {
      }
      %dma_wait3A_553 = arith.constant 4 : i32
      %dma_wait3A_554 = arith.constant 0 : i32
      %dma_wait3A_555 = arith.constant 4 : i32
      %dma_wait3A_556 = arith.constant 0 : i32
      %dma_wait3A_557 = arith.constant 0 : i32
      %dma_wait3A_558 = tpu.memref_slice %arg6[%dma_wait3A_555, %dma_wait3A_556, %dma_wait3A_557] : memref<5x256x64xf32, #tpu.memory_space<vmem>> -> memref<1x128x64xf32, #tpu.memory_space<vmem>>
      %dma_wait3A_559 = tpu.memref_squeeze %dma_wait3A_558 : memref<1x128x64xf32, #tpu.memory_space<vmem>> -> memref<128x64xf32, #tpu.memory_space<vmem>>
      %dma_wait3A_560 = arith.constant 0 : i32
      %dma_wait3A_561 = tpu.memref_slice %arg5[%dma_wait3A_553, %dma_wait3A_554, %dma_wait3A_560] : memref<5x2x128xi32, #tpu.memory_space<vmem>> -> memref<1x1x128xi32, #tpu.memory_space<vmem>>
      %dma_wait3A_562 = tpu.memref_squeeze %dma_wait3A_561 : memref<1x1x128xi32, #tpu.memory_space<vmem>> -> memref<128xi32, #tpu.memory_space<vmem>>
      %dma_wait3A_563 = arith.constant 0 : i32
      %dma_wait3A_564 = arith.constant 0 : i32
      %dma_wait3A_565 = tpu.memref_slice %arg3[%dma_wait3A_563, %dma_wait3A_564] : memref<1000001x64xf32, #tpu.memory_space<hbm>> -> memref<1000001x64xf32, #tpu.memory_space<hbm>>
      tpu.wait_indirect_dma semaphore(%arg16 : memref<!tpu.dma_semaphore, #tpu.memory_space<semaphore_mem>>) src(%dma_wait3A_565 : memref<1000001x64xf32, #tpu.memory_space<hbm>>) dst(%dma_wait3A_559 : memref<128x64xf32, #tpu.memory_space<vmem>>)
      %dma_wait3A_566 = arith.constant 4 : i32
      %dma_wait3A_567 = arith.constant 1 : i32
      %dma_wait3A_568 = arith.constant 4 : i32
      %dma_wait3A_569 = arith.constant 128 : i32
      %dma_wait3A_570 = arith.constant 0 : i32
      %dma_wait3A_571 = tpu.memref_slice %arg6[%dma_wait3A_568, %dma_wait3A_569, %dma_wait3A_570] : memref<5x256x64xf32, #tpu.memory_space<vmem>> -> memref<1x128x64xf32, #tpu.memory_space<vmem>>
      %dma_wait3A_572 = tpu.memref_squeeze %dma_wait3A_571 : memref<1x128x64xf32, #tpu.memory_space<vmem>> -> memref<128x64xf32, #tpu.memory_space<vmem>>
      %dma_wait3A_573 = arith.constant 0 : i32
      %dma_wait3A_574 = tpu.memref_slice %arg5[%dma_wait3A_566, %dma_wait3A_567, %dma_wait3A_573] : memref<5x2x128xi32, #tpu.memory_space<vmem>> -> memref<1x1x128xi32, #tpu.memory_space<vmem>>
      %dma_wait3A_575 = tpu.memref_squeeze %dma_wait3A_574 : memref<1x1x128xi32, #tpu.memory_space<vmem>> -> memref<128xi32, #tpu.memory_space<vmem>>
      %dma_wait3A_576 = arith.constant 0 : i32
      %dma_wait3A_577 = arith.constant 0 : i32
      %dma_wait3A_578 = tpu.memref_slice %arg3[%dma_wait3A_576, %dma_wait3A_577] : memref<1000001x64xf32, #tpu.memory_space<hbm>> -> memref<1000001x64xf32, #tpu.memory_space<hbm>>
      tpu.wait_indirect_dma semaphore(%arg16 : memref<!tpu.dma_semaphore, #tpu.memory_space<semaphore_mem>>) src(%dma_wait3A_578 : memref<1000001x64xf32, #tpu.memory_space<hbm>>) dst(%dma_wait3A_572 : memref<128x64xf32, #tpu.memory_space<vmem>>)
      %mul3A_579 = arith.constant 256 : i32
      %mul3A_580 = arith.muli %add3A_545, %mul3A_579 : i32
      %add3A_581 = arith.addi %mul3A_2, %mul3A_580 : i32
      %multiple_of3A_582 = tpu.assume_multiple %add3A_581, 256 : i32
      %dma_start3A_583 = arith.constant 4 : i32
      %dma_start3A_584 = arith.constant 0 : i32
      %dma_start3A_585 = arith.constant 0 : i32
      %dma_start3A_586 = tpu.memref_slice %arg6[%dma_start3A_583, %dma_start3A_584, %dma_start3A_585] : memref<5x256x64xf32, #tpu.memory_space<vmem>> -> memref<1x256x64xf32, #tpu.memory_space<vmem>>
      %dma_start3A_587 = tpu.memref_squeeze %dma_start3A_586 : memref<1x256x64xf32, #tpu.memory_space<vmem>> -> memref<256x64xf32, #tpu.memory_space<vmem>>
      %dma_start3A_588 = arith.constant 0 : i32
      %dma_start3A_589 = tpu.memref_slice %arg4[%multiple_of3A_582, %dma_start3A_588] : memref<819200x64xf32, #tpu.memory_space<hbm>> -> memref<256x64xf32, #tpu.memory_space<hbm>>
      %dma_start3A_590 = arith.constant 0 : i32
      %dma_start3A_591 = tpu.memref_slice %arg4[%multiple_of3A_582, %dma_start3A_590] : memref<819200x64xf32, #tpu.memory_space<hbm>> -> memref<256x64xf32, #tpu.memory_space<hbm>>
      %dma_start3A_592 = arith.constant 0 : i32
      %dma_start3A_593 = arith.constant 0 : i32
      %dma_start3A_594 = tpu.memref_slice %arg6[%dma_start3A_583, %dma_start3A_592, %dma_start3A_593] : memref<5x256x64xf32, #tpu.memory_space<vmem>> -> memref<1x256x64xf32, #tpu.memory_space<vmem>>
      %dma_start3A_595 = tpu.memref_squeeze %dma_start3A_594 : memref<1x256x64xf32, #tpu.memory_space<vmem>> -> memref<256x64xf32, #tpu.memory_space<vmem>>
      tpu.enqueue_dma source(%dma_start3A_595 : memref<256x64xf32, #tpu.memory_space<vmem>>) target(%dma_start3A_591 : memref<256x64xf32, #tpu.memory_space<hbm>>) target_semaphore(%arg21 : memref<!tpu.dma_semaphore, #tpu.memory_space<semaphore_mem>>)
      %add3A_596 = arith.constant 5 : i32
      %add3A_597 = arith.addi %add3A_545, %add3A_596 : i32
      %lt3A_598 = arith.constant 100 : i32
      %lt3A_599 = arith.cmpi slt, %add3A_597, %lt3A_598 : i32
      %convert_element_type3A_600 = arith.extui %lt3A_599 : i1 to i32
      %cond3A_601 = arith.constant 0 : i32
      %cond3A_602 = arith.cmpi ne, %convert_element_type3A_600, %cond3A_601 : i32
      scf.if %cond3A_602 {
        %add3A_603 = arith.constant 5 : i32
        %add3A_604 = arith.addi %add3A_545, %add3A_603 : i32
        %mul3A_605 = arith.constant 2 : i32
        %mul3A_606 = arith.muli %add3A_604, %mul3A_605 : i32
        %add3A_607 = arith.addi %select_n3A, %mul3A_606 : i32
        %multiple_of3A_608 = tpu.assume_multiple %add3A_607, 2 : i32
        %dma_start3A_609 = arith.constant 4 : i32
        %dma_start3A_610 = arith.constant 0 : i32
        %dma_start3A_611 = arith.constant 0 : i32
        %dma_start3A_612 = tpu.memref_slice %arg5[%dma_start3A_609, %dma_start3A_610, %dma_start3A_611] : memref<5x2x128xi32, #tpu.memory_space<vmem>> -> memref<1x2x128xi32, #tpu.memory_space<vmem>>
        %dma_start3A_613 = tpu.memref_squeeze %dma_start3A_612 : memref<1x2x128xi32, #tpu.memory_space<vmem>> -> memref<2x128xi32, #tpu.memory_space<vmem>>
        %dma_start3A_614 = arith.constant 0 : i32
        %dma_start3A_615 = tpu.memref_slice %arg2[%multiple_of3A_608, %dma_start3A_614] : memref<6400x128xi32, #tpu.memory_space<hbm>> -> memref<2x128xi32, #tpu.memory_space<hbm>>
        %dma_start3A_616 = arith.constant 0 : i32
        %dma_start3A_617 = arith.constant 0 : i32
        %dma_start3A_618 = tpu.memref_slice %arg5[%dma_start3A_609, %dma_start3A_616, %dma_start3A_617] : memref<5x2x128xi32, #tpu.memory_space<vmem>> -> memref<1x2x128xi32, #tpu.memory_space<vmem>>
        %dma_start3A_619 = tpu.memref_squeeze %dma_start3A_618 : memref<1x2x128xi32, #tpu.memory_space<vmem>> -> memref<2x128xi32, #tpu.memory_space<vmem>>
        %dma_start3A_620 = arith.constant 0 : i32
        %dma_start3A_621 = tpu.memref_slice %arg2[%multiple_of3A_608, %dma_start3A_620] : memref<6400x128xi32, #tpu.memory_space<hbm>> -> memref<2x128xi32, #tpu.memory_space<hbm>>
        tpu.enqueue_dma source(%dma_start3A_621 : memref<2x128xi32, #tpu.memory_space<hbm>>) target(%dma_start3A_619 : memref<2x128xi32, #tpu.memory_space<vmem>>) target_semaphore(%arg11 : memref<!tpu.dma_semaphore, #tpu.memory_space<semaphore_mem>>)
      } else {
      }
    }
    %scan3A_225 = arith.constant 20 : i32
    %add3A_226 = arith.constant 24320 : i32
    %add3A_227 = arith.addi %mul3A_2, %add3A_226 : i32
    %multiple_of3A_228 = tpu.assume_multiple %add3A_227, 256 : i32
    %dma_wait3A_229 = arith.constant 0 : i32
    %dma_wait3A_230 = arith.constant 0 : i32
    %dma_wait3A_231 = arith.constant 0 : i32
    %dma_wait3A_232 = tpu.memref_slice %arg6[%dma_wait3A_229, %dma_wait3A_230, %dma_wait3A_231] : memref<5x256x64xf32, #tpu.memory_space<vmem>> -> memref<1x256x64xf32, #tpu.memory_space<vmem>>
    %dma_wait3A_233 = tpu.memref_squeeze %dma_wait3A_232 : memref<1x256x64xf32, #tpu.memory_space<vmem>> -> memref<256x64xf32, #tpu.memory_space<vmem>>
    %dma_wait3A_234 = arith.constant 0 : i32
    %dma_wait3A_235 = tpu.memref_slice %arg4[%multiple_of3A_228, %dma_wait3A_234] : memref<819200x64xf32, #tpu.memory_space<hbm>> -> memref<256x64xf32, #tpu.memory_space<hbm>>
    %dma_wait3A_236 = arith.constant 0 : i32
    %dma_wait3A_237 = tpu.memref_slice %arg4[%multiple_of3A_228, %dma_wait3A_236] : memref<819200x64xf32, #tpu.memory_space<hbm>> -> memref<256x64xf32, #tpu.memory_space<hbm>>
    %dma_wait3A_238 = arith.constant 0 : i32
    %dma_wait3A_239 = arith.constant 0 : i32
    %dma_wait3A_240 = tpu.memref_slice %arg6[%dma_wait3A_229, %dma_wait3A_238, %dma_wait3A_239] : memref<5x256x64xf32, #tpu.memory_space<vmem>> -> memref<1x256x64xf32, #tpu.memory_space<vmem>>
    %dma_wait3A_241 = tpu.memref_squeeze %dma_wait3A_240 : memref<1x256x64xf32, #tpu.memory_space<vmem>> -> memref<256x64xf32, #tpu.memory_space<vmem>>
    tpu.wait_dma2 semaphore(%arg17 : memref<!tpu.dma_semaphore, #tpu.memory_space<semaphore_mem>>) src(%dma_wait3A_241 : memref<256x64xf32, #tpu.memory_space<vmem>>) dst(%dma_wait3A_237 : memref<256x64xf32, #tpu.memory_space<hbm>>)
    %add3A_242 = arith.constant 24576 : i32
    %add3A_243 = arith.addi %mul3A_2, %add3A_242 : i32
    %multiple_of3A_244 = tpu.assume_multiple %add3A_243, 256 : i32
    %dma_wait3A_245 = arith.constant 1 : i32
    %dma_wait3A_246 = arith.constant 0 : i32
    %dma_wait3A_247 = arith.constant 0 : i32
    %dma_wait3A_248 = tpu.memref_slice %arg6[%dma_wait3A_245, %dma_wait3A_246, %dma_wait3A_247] : memref<5x256x64xf32, #tpu.memory_space<vmem>> -> memref<1x256x64xf32, #tpu.memory_space<vmem>>
    %dma_wait3A_249 = tpu.memref_squeeze %dma_wait3A_248 : memref<1x256x64xf32, #tpu.memory_space<vmem>> -> memref<256x64xf32, #tpu.memory_space<vmem>>
    %dma_wait3A_250 = arith.constant 0 : i32
    %dma_wait3A_251 = tpu.memref_slice %arg4[%multiple_of3A_244, %dma_wait3A_250] : memref<819200x64xf32, #tpu.memory_space<hbm>> -> memref<256x64xf32, #tpu.memory_space<hbm>>
    %dma_wait3A_252 = arith.constant 0 : i32
    %dma_wait3A_253 = tpu.memref_slice %arg4[%multiple_of3A_244, %dma_wait3A_252] : memref<819200x64xf32, #tpu.memory_space<hbm>> -> memref<256x64xf32, #tpu.memory_space<hbm>>
    %dma_wait3A_254 = arith.constant 0 : i32
    %dma_wait3A_255 = arith.constant 0 : i32
    %dma_wait3A_256 = tpu.memref_slice %arg6[%dma_wait3A_245, %dma_wait3A_254, %dma_wait3A_255] : memref<5x256x64xf32, #tpu.memory_space<vmem>> -> memref<1x256x64xf32, #tpu.memory_space<vmem>>
    %dma_wait3A_257 = tpu.memref_squeeze %dma_wait3A_256 : memref<1x256x64xf32, #tpu.memory_space<vmem>> -> memref<256x64xf32, #tpu.memory_space<vmem>>
    tpu.wait_dma2 semaphore(%arg18 : memref<!tpu.dma_semaphore, #tpu.memory_space<semaphore_mem>>) src(%dma_wait3A_257 : memref<256x64xf32, #tpu.memory_space<vmem>>) dst(%dma_wait3A_253 : memref<256x64xf32, #tpu.memory_space<hbm>>)
    %add3A_258 = arith.constant 24832 : i32
    %add3A_259 = arith.addi %mul3A_2, %add3A_258 : i32
    %multiple_of3A_260 = tpu.assume_multiple %add3A_259, 256 : i32
    %dma_wait3A_261 = arith.constant 2 : i32
    %dma_wait3A_262 = arith.constant 0 : i32
    %dma_wait3A_263 = arith.constant 0 : i32
    %dma_wait3A_264 = tpu.memref_slice %arg6[%dma_wait3A_261, %dma_wait3A_262, %dma_wait3A_263] : memref<5x256x64xf32, #tpu.memory_space<vmem>> -> memref<1x256x64xf32, #tpu.memory_space<vmem>>
    %dma_wait3A_265 = tpu.memref_squeeze %dma_wait3A_264 : memref<1x256x64xf32, #tpu.memory_space<vmem>> -> memref<256x64xf32, #tpu.memory_space<vmem>>
    %dma_wait3A_266 = arith.constant 0 : i32
    %dma_wait3A_267 = tpu.memref_slice %arg4[%multiple_of3A_260, %dma_wait3A_266] : memref<819200x64xf32, #tpu.memory_space<hbm>> -> memref<256x64xf32, #tpu.memory_space<hbm>>
    %dma_wait3A_268 = arith.constant 0 : i32
    %dma_wait3A_269 = tpu.memref_slice %arg4[%multiple_of3A_260, %dma_wait3A_268] : memref<819200x64xf32, #tpu.memory_space<hbm>> -> memref<256x64xf32, #tpu.memory_space<hbm>>
    %dma_wait3A_270 = arith.constant 0 : i32
    %dma_wait3A_271 = arith.constant 0 : i32
    %dma_wait3A_272 = tpu.memref_slice %arg6[%dma_wait3A_261, %dma_wait3A_270, %dma_wait3A_271] : memref<5x256x64xf32, #tpu.memory_space<vmem>> -> memref<1x256x64xf32, #tpu.memory_space<vmem>>
    %dma_wait3A_273 = tpu.memref_squeeze %dma_wait3A_272 : memref<1x256x64xf32, #tpu.memory_space<vmem>> -> memref<256x64xf32, #tpu.memory_space<vmem>>
    tpu.wait_dma2 semaphore(%arg19 : memref<!tpu.dma_semaphore, #tpu.memory_space<semaphore_mem>>) src(%dma_wait3A_273 : memref<256x64xf32, #tpu.memory_space<vmem>>) dst(%dma_wait3A_269 : memref<256x64xf32, #tpu.memory_space<hbm>>)
    %add3A_274 = arith.constant 25088 : i32
    %add3A_275 = arith.addi %mul3A_2, %add3A_274 : i32
    %multiple_of3A_276 = tpu.assume_multiple %add3A_275, 256 : i32
    %dma_wait3A_277 = arith.constant 3 : i32
    %dma_wait3A_278 = arith.constant 0 : i32
    %dma_wait3A_279 = arith.constant 0 : i32
    %dma_wait3A_280 = tpu.memref_slice %arg6[%dma_wait3A_277, %dma_wait3A_278, %dma_wait3A_279] : memref<5x256x64xf32, #tpu.memory_space<vmem>> -> memref<1x256x64xf32, #tpu.memory_space<vmem>>
    %dma_wait3A_281 = tpu.memref_squeeze %dma_wait3A_280 : memref<1x256x64xf32, #tpu.memory_space<vmem>> -> memref<256x64xf32, #tpu.memory_space<vmem>>
    %dma_wait3A_282 = arith.constant 0 : i32
    %dma_wait3A_283 = tpu.memref_slice %arg4[%multiple_of3A_276, %dma_wait3A_282] : memref<819200x64xf32, #tpu.memory_space<hbm>> -> memref<256x64xf32, #tpu.memory_space<hbm>>
    %dma_wait3A_284 = arith.constant 0 : i32
    %dma_wait3A_285 = tpu.memref_slice %arg4[%multiple_of3A_276, %dma_wait3A_284] : memref<819200x64xf32, #tpu.memory_space<hbm>> -> memref<256x64xf32, #tpu.memory_space<hbm>>
    %dma_wait3A_286 = arith.constant 0 : i32
    %dma_wait3A_287 = arith.constant 0 : i32
    %dma_wait3A_288 = tpu.memref_slice %arg6[%dma_wait3A_277, %dma_wait3A_286, %dma_wait3A_287] : memref<5x256x64xf32, #tpu.memory_space<vmem>> -> memref<1x256x64xf32, #tpu.memory_space<vmem>>
    %dma_wait3A_289 = tpu.memref_squeeze %dma_wait3A_288 : memref<1x256x64xf32, #tpu.memory_space<vmem>> -> memref<256x64xf32, #tpu.memory_space<vmem>>
    tpu.wait_dma2 semaphore(%arg20 : memref<!tpu.dma_semaphore, #tpu.memory_space<semaphore_mem>>) src(%dma_wait3A_289 : memref<256x64xf32, #tpu.memory_space<vmem>>) dst(%dma_wait3A_285 : memref<256x64xf32, #tpu.memory_space<hbm>>)
    %add3A_290 = arith.constant 25344 : i32
    %add3A_291 = arith.addi %mul3A_2, %add3A_290 : i32
    %multiple_of3A_292 = tpu.assume_multiple %add3A_291, 256 : i32
    %dma_wait3A_293 = arith.constant 4 : i32
    %dma_wait3A_294 = arith.constant 0 : i32
    %dma_wait3A_295 = arith.constant 0 : i32
    %dma_wait3A_296 = tpu.memref_slice %arg6[%dma_wait3A_293, %dma_wait3A_294, %dma_wait3A_295] : memref<5x256x64xf32, #tpu.memory_space<vmem>> -> memref<1x256x64xf32, #tpu.memory_space<vmem>>
    %dma_wait3A_297 = tpu.memref_squeeze %dma_wait3A_296 : memref<1x256x64xf32, #tpu.memory_space<vmem>> -> memref<256x64xf32, #tpu.memory_space<vmem>>
    %dma_wait3A_298 = arith.constant 0 : i32
    %dma_wait3A_299 = tpu.memref_slice %arg4[%multiple_of3A_292, %dma_wait3A_298] : memref<819200x64xf32, #tpu.memory_space<hbm>> -> memref<256x64xf32, #tpu.memory_space<hbm>>
    %dma_wait3A_300 = arith.constant 0 : i32
    %dma_wait3A_301 = tpu.memref_slice %arg4[%multiple_of3A_292, %dma_wait3A_300] : memref<819200x64xf32, #tpu.memory_space<hbm>> -> memref<256x64xf32, #tpu.memory_space<hbm>>
    %dma_wait3A_302 = arith.constant 0 : i32
    %dma_wait3A_303 = arith.constant 0 : i32
    %dma_wait3A_304 = tpu.memref_slice %arg6[%dma_wait3A_293, %dma_wait3A_302, %dma_wait3A_303] : memref<5x256x64xf32, #tpu.memory_space<vmem>> -> memref<1x256x64xf32, #tpu.memory_space<vmem>>
    %dma_wait3A_305 = tpu.memref_squeeze %dma_wait3A_304 : memref<1x256x64xf32, #tpu.memory_space<vmem>> -> memref<256x64xf32, #tpu.memory_space<vmem>>
    tpu.wait_dma2 semaphore(%arg21 : memref<!tpu.dma_semaphore, #tpu.memory_space<semaphore_mem>>) src(%dma_wait3A_305 : memref<256x64xf32, #tpu.memory_space<vmem>>) dst(%dma_wait3A_301 : memref<256x64xf32, #tpu.memory_space<hbm>>)
    return
  }
}

</mosaic_0001>

<sc_bundles>
// kernel: kernel.3.cloned.1.call-start
scs
__scs_entry_jumppad:
0x0: {  	(pc) =	sbr.rel $0x88, $3  }
0x1: {  	(tag) =	ssettag $0x0;
	lr =	simm.s32 $0x1  }
0x2: {  	[smem:$0x3F9F] =	sst lr;
	_ =	strace $0xD0000000  }
0x3: {  	_ = 	snop  }
0x4: {  	_ = 	snop  }
0x5: {  	_ = 	snop  }
0x6: {  	_ = 	snop  }
0x7: {  	_ = 	snop  }
__scs_overlays_trampoline_lowered:
0x8: {  	[smem:$0x3FAE] =	sst s0  }
0x9: {  	[smem:$0x3FAF] =	sst s1  }
0xa: {  	[smem:$0x3FB0] =	sst s2  }
0xb: {  	[smem:$0x3FB1] =	sst s3  }
0xc: {  	[smem:$0x3FB2] =	sst s4  }
0xd: {  	[smem:$0x3FB3] =	sst s5  }
0xe: {  	[smem:$0x3FB4] =	sst s6  }
0xf: {  	[smem:$0x3FB5] =	sst s7  }
0x10: {  	[smem:$0x3FB6] =	sst s8  }
0x11: {  	[smem:$0x3FB7] =	sst s9;
	s0 =	simm.s32 @!p0 $0x0  }
0x12: {  	s1 =	sld [smem:$0x3F9D];
	s0 =	simm.s32 @p0 $0x1  }
0x13: {  	[smem:$0x3FB8] =	sst s0;
	s0 =	simm.s32 @!p1 $0x0  }
0x14: {  	s2 =	sld [smem:$0x3F9C];
	s0 =	simm.s32 @p1 $0x1  }
0x15: {  	[smem:$0x3FB9] =	sst s0;
	s0 =	simm.s32 @!p2 $0x0  }
0x16: {  	s3 =	sld [smem:$0x3FDB];
	s0 =	simm.s32 @p2 $0x1  }
0x17: {  	s4 =	simm.s32 $0x1BF5;
	[smem:$0x3FBB] =	sst s0  }
0x18: {  	s0 =	sld [smem:$0x3F9E];
	_ =	swait.ge [sflag:s4], $0x0  }
0x19: {  	s7 =	sld [smem:$0x3F9F]  }
0x1a: {  	s8 =	sadd.s32 $0xFFFFE003, lr  }
0x1b: {  	s9 =	sadd.s32 $0xFFFFFEF7, lr;
	s5 =	simm.s32 $0xFFFFFFFF;
	p2 =	slt.u32 s8, $0xFFFFF086  }
0x1c: {  	p1 =	slt.u32 s9, $0xF7A;
	s5 =	simm.s32 @!p2 $0x0  }
0x1d: {  	s5 =	simm.s32 @p1 $0x1;
	p0 =	seq.s32 s7, s2  }
0x1e: {  	s7 =	smul.u32 @!p0 $0xF7A, s2;
	p2 =	seq.s32 @!p0 s5, $0x0  }
0x1f: {  	s9 =	smul.u32 $0xF7A, s1;
	s8 =	simm.s32 @!p0 $0x1BF5;
	p2 =	por !p2, p0  }
0x20: {  	[sflag:s8] =	ssyncset.s32 @!p0 $0xFFFFF086;
	s6 =	sadd.s32 @!p0 s3, s7;
	s7 =	simm.s32 @!p0 $0x108  }
0x21: {  	s3 =	sadd.s32 s3, s9;
	s6 =	sadd.s32 @!p0 $0x88, s6;
	s7 =	simm.s32 @p2 $0x1082  }
0x22: {  	[simem:s7], [sflag:s8] =	dma.local @!p0 [hbm:s6], $0xF7A  }
0x23: {  	s9 =	sor.u32 $0xD0000000, s2;
	s6 =	simm.s32 $0x108;
	_ =	swait.ge @!p0 [sflag:s8], $0x0  }
0x24: {  	s3 =	sadd.s32 $0x88, s3;
	s6 =	simm.s32 @!p1 $0x1082;
	[sflag:s4] =	ssyncset.s32 $0xFFFFF086  }
0x25: {  	[simem:s6], [sflag:s4] =	dma.local [hbm:s3], $0xF7A  }
0x26: {  	[smem:$0x3F9F] =	sst s1;
	(tag) =	ssettag s2;
	_ =	strace s9  }
0x27: {  	s1 =	sld [smem:$0x3FAF]  }
0x28: {  	s2 =	sld [smem:$0x3FB0]  }
0x29: {  	s4 =	sld [smem:$0x3FB2]  }
0x2a: {  	p0 =	seq.s32 s5, $0x0;
	s5 =	sld [smem:$0x3FB3]  }
0x2b: {  	s6 =	sld [smem:$0x3FB4]  }
0x2c: {  	s7 =	sld [smem:$0x3FB5]  }
0x2d: {  	s3 =	simm.s32 $0x108;
	s8 =	sld [smem:$0x3FB6]  }
0x2e: {  	s3 =	simm.s32 @!p0 $0x1082;
	s9 =	sld [smem:$0x3FB7]  }
0x2f: {  	lr =	sadd.s32 s0, s3;
	s0 =	sld [smem:$0x3FAE]  }
0x30: {  	s3 =	sld [smem:$0x3FB1]  }
0x31: {  	[smem:$0x3FBA] =	sst s10  }
0x32: {  	s10 =	sld [smem:$0x3FB8];
	_ =	sdelay $0x3  }
0x33: {  	p0 =	seq.s32 s10, $0x1;
	s10 =	sld [smem:$0x3FBA];
	_ =	sdelay $0x3  }
0x34: {  	[smem:$0x3FBA] =	sst s10  }
0x35: {  	s10 =	sld [smem:$0x3FB9];
	_ =	sdelay $0x3  }
0x36: {  	p1 =	seq.s32 s10, $0x1;
	s10 =	sld [smem:$0x3FBA];
	_ =	sdelay $0x3  }
0x37: {  	[smem:$0x3FBA] =	sst s10  }
0x38: {  	s10 =	sld [smem:$0x3FBB]  }
0x39: {  	_ = 	snop;
	(pc) =	sbr.ind lr, $3  }
0x3a: {  	_ = 	snop  }
0x3b: {  	_ = 	snop  }
0x3c: {  	p2 =	seq.s32 s10, $0x1;
	s10 =	sld [smem:$0x3FBA]  }
0x3d: {  	_ =	shalt  }
0x3e: {  	_ =	shalt  }
0x3f: {  	_ =	shalt  }
0x40: {  	_ =	shalt  }
0x41: {  	_ =	shalt  }
0x42: {  	_ =	shalt  }
0x43: {  	_ =	shalt  }
0x44: {  	_ =	shalt  }
0x45: {  	_ =	shalt  }
0x46: {  	_ =	shalt  }
0x47: {  	_ =	shalt  }
0x48: {  	_ =	shalt  }
0x49: {  	_ =	shalt  }
0x4a: {  	_ =	shalt  }
0x4b: {  	_ =	shalt  }
0x4c: {  	_ =	shalt  }
0x4d: {  	_ =	shalt  }
0x4e: {  	_ =	shalt  }
0x4f: {  	_ =	shalt  }
0x50: {  	_ =	shalt  }
0x51: {  	_ =	shalt  }
0x52: {  	_ =	shalt  }
0x53: {  	_ =	shalt  }
0x54: {  	_ =	shalt  }
0x55: {  	_ =	shalt  }
0x56: {  	_ =	shalt  }
0x57: {  	_ =	shalt  }
0x58: {  	_ =	shalt  }
0x59: {  	_ =	shalt  }
0x5a: {  	_ =	shalt  }
0x5b: {  	_ =	shalt  }
0x5c: {  	_ =	shalt  }
0x5d: {  	_ =	shalt  }
0x5e: {  	_ =	shalt  }
0x5f: {  	_ =	shalt  }
0x60: {  	_ =	shalt  }
0x61: {  	_ =	shalt  }
0x62: {  	_ =	shalt  }
0x63: {  	_ =	shalt  }
0x64: {  	_ =	shalt  }
0x65: {  	_ =	shalt  }
0x66: {  	_ =	shalt  }
0x67: {  	_ =	shalt  }
0x68: {  	_ =	shalt  }
0x69: {  	_ =	shalt  }
0x6a: {  	_ =	shalt  }
0x6b: {  	_ =	shalt  }
0x6c: {  	_ =	shalt  }
0x6d: {  	_ =	shalt  }
0x6e: {  	_ =	shalt  }
0x6f: {  	_ =	shalt  }
0x70: {  	_ =	shalt  }
0x71: {  	_ =	shalt  }
0x72: {  	_ =	shalt  }
0x73: {  	_ =	shalt  }
0x74: {  	_ =	shalt  }
0x75: {  	_ =	shalt  }
0x76: {  	_ =	shalt  }
0x77: {  	_ =	shalt  }
0x78: {  	_ =	shalt  }
0x79: {  	_ =	shalt  }
0x7a: {  	_ =	shalt  }
0x7b: {  	_ =	shalt  }
0x7c: {  	_ =	shalt  }
0x7d: {  	_ =	shalt  }
0x7e: {  	_ =	shalt  }
0x7f: {  	_ =	shalt  }
0x80: {  	_ =	shalt  }
0x81: {  	_ =	shalt  }
0x82: {  	_ =	shalt  }
0x83: {  	_ =	shalt  }
0x84: {  	_ =	shalt  }
0x85: {  	_ =	shalt  }
0x86: {  	_ =	shalt  }
0x87: {  	_ =	shalt  }
.Lfunc_end0:
.L_simem_size_0:
called_computation.1_lowered:
.L_overlay_start_0:
0x88: {  	s2 =	sld [smem:$0x3FD9]  }
0x89: {  	s3 =	sld [smem:$0x3FFE];
	_ =	sdelay $0x1  }
0x8a: {  	s1 =	srdreg.scid  }
0x8b: {  	s0 =	sand.u32 $0x1, s1  }
0x8c: {  	s17 =	sshll.u32 s0, $0xA;
	s2 =	sadd.s32 s3, s2  }
0x8d: {  	s2 =	sadd.s32 s2, s17  }
0x8e: {  	[smem:$0x3FC6] =	sst s2  }
0x8f: {  	_ = 	snop  }
0x90: {  	s2 =	sld [smem:$0x3FD0];
	(tm) =	ssettm $0x1  }
0x91: {  	s18 =	sld [smem:$0x3FFB];
	_ =	sdelay $0x3  }
0x92: {  	_ =	strace s18  }
0x93: {  	s3 =	sld [smem:$0x3FFC];
	_ =	sdelay $0x3  }
0x94: {  	_ =	strace s3  }
0x95: {  	s3 =	sld [smem:$0x3FFD];
	_ =	sdelay $0x3  }
0x96: {  	_ =	strace s3  }
0x97: {  	_ =	strace $0x8FFFFFFF  }
0x98: {  	s19 =	sld [smem:$0x3FDB];
	_ =	sdelay $0x1  }
0x99: {  	s4 =	simm.s32 $_scs_section_size  }
0x9a: {  	s5 =	simm.s32 $_size__tile_overlayer_lowered;
	s6 =	simm.s32 $_tile_overlayer_lowered  }
0x9b: {  	s22 =	simm.s32 $0x1BFF;
	s21 =	sshll.u32 s6, $0x1;
	s3 =	sadd.s32 s4, s19  }
0x9c: {  	s7 =	simm.s32 $0x0;
	s20 =	sshll.u32 s5, $0x1;
	s5 =	sadd.s32 s21, s3  }
0x9d: {  	[timem:s7], [sflag:s22] =	dma.local [hbm:s5], s20  }
0x9e: {  	_ =	swait.ge [sflag:s22], s20  }
0x9f: {  	s4 =	ssub.s32 $0x0, s20;
	[sflag:s22] =	ssyncset.done $0x0  }
0xa0: {  	[sflag:s22] =	ssyncadd.s32 s4;
	_ =	sdelay $0x1  }
0xa1: {  	s23 =	simm.s32 $0x1B8B  }
0xa2: {  	_ =	swait.ge [sflag:s23], $0x1  }
0xa3: {  	[sflag:s23] =	ssyncset.done $0x0  }
0xa4: {  	s25 =	simm.s32 $0x1B8E;
	s24 =	sld [smem:$0x3FFE];
	[sflag:s23] =	ssyncadd.s32 $0xFFFFFFFF  }
0xa5: {  	s26 =	simm.s32 $execute0_lowered;
	[smem:$0x3FD2] =	sst s25  }
0xa6: {  	s5 =	sshll.u32 s26, $0x1;
	_ =	strace $0x80000046;
	[dreg:$0x1] =	wrdreg $0xFFFFFFFF  }
0xa7: {  	s28 =	simm.s32 $_size_execute0_lowered;
	s3 =	sadd.s32 s3, s5;
	[dreg:$0x0] =	wrdreg $0x0  }
0xa8: {  	s5 =	sshll.u32 s28, $0x1;
	[dreg:$0x2] =	wrdreg s3  }
0xa9: {  	[dreg:$0x3] =	wrdreg s5  }
0xaa: {  	[dreg:$0x4] =	wrdreg $0xC0  }
0xab: {  	_ =	task [dreg:s7], $0x5FFFF  }
0xac: {  	[dreg:$0x1] =	wrdreg $0xFFFFFFFF  }
0xad: {  	[dreg:$0x0] =	wrdreg $0x60  }
0xae: {  	[dreg:$0x2] =	wrdreg s24  }
0xaf: {  	[dreg:$0x3] =	wrdreg s2  }
0xb0: {  	[dreg:$0x4] =	wrdreg $0x9  }
0xb1: {  	_ =	task.clear_ibuf [dreg:s7], $0x5FFFF;
	_ =	strace $0x90000046  }
0xb2: {  	s29 =	simm.s32 $0x9;
	_ =	strace $0x80000048  }
0xb3: {  	_ =	swait.ge [sflag:s29], $0x1  }
0xb4: {  	[sflag:s29] =	ssyncadd.s32 $0xFFFFFFFF  }
0xb5: {  	_ =	strace $0x90000048  }
0xb6: {  	_ =	sfence  }
0xb7: {  	s30 =	sld [smem:$0x0];
	_ =	sdelay $0x2  }
0xb8: {  	s31 =	sshll.u32 s1, $0xD;
	s1 =	sshrl.u32 s1, $0x2  }
0xb9: {  	s3 =	sand.u32 $0x4000, s31;
	s1 =	sadd.s32 s1, s30  }
0xba: {  	s0 =	sor.u32 s3, s0;
	s1 =	sshll.u32 s1, $0x11  }
0xbb: {  	s0 =	sor.u32 s1, s0  }
0xbc: {  	s0 =	sadd.s32 $0x8F2B, s0  }
0xbd: {  	[sflag:s0] =	ssyncadd.remote.s32 $0x1  }
0xbe: {  	_ =	sfence.sel $0xFFFF  }
0xbf: {  	[dreg:$0x0] =	wrdreg $0xFFFFFFFF;
	(pc) =	sbr.abs _section_cstart, $3  }
0xc0: {  	[dreg:$0x1] =	wrdreg $0xFFFFFFFF  }
0xc1: {  	_ =	task.clear_ibuf [dreg:s7], $0x2FFFF;
	_ =	strace $0x9FFFFFFF  }
0xc2: {  	(tm) =	ssettm $0x7FFFFFFF  }
0xc3: {  	_ =	shalt  }
tec
execute0_lowered:
.L_overlay_start_1:
0x0: {  	(tag) =	ssettag $0x1  }
0x1: {  	s0 =	rddreg [dreg:$0x0]  }
0x2: {  	s1 =	srdreg.scid;
	s10 =	stileid.u32  }
0x3: {  	s3 =	rddreg [dreg:$0x1];
	s6 =	smul.u32 $0xC800, s10  }
0x4: {  	s2 =	simm.s32 $0x0;
	s12 =	simm.s32 $0x10500;
	s25 =	smul.u32 $0x320000, s10  }
0x5: {  	s1 =	sand.u32 $0x1, s1;
	s4 =	sshll.u32 s10, $0x1;
	s28 =	smul.u32 $0x64000, s10  }
0x6: {  	[smem:$0x7FF] =	sst s2;
	s11 =	sadd.s32 $0xA00, s0;
	s14 =	smul.u32 $0x6400, s1  }
0x7: {  	s10 =	simm.s32 $0x5;
	s4 =	sor.u32 s1, s4;
	s9 =	smul.u32 $0x190000, s1  }
0x8: {  	_ =	strace $0x80000047;
	s13 =	ssub.s32 $0x2, s1;
	s1 =	smul.u32 $0x32000, s1  }
0x9: {  	[dreg:$0x3] =	wrdreg s11;
	s5 =	smul.u32 $0x6400, s4;
	s7 =	sshrl.u32 s13, $0x1  }
0xa: {  	s4 =	sadd.s32 $0xF43000, s0;
	s0 =	ssub.s32 s13, s7;
	s29 =	sadd.s32 s9, s25  }
0xb: {  	s9 =	simm.s32 $0x6;
	s5 =	sshrl.u32 s5, $0x3;
	s0 =	smax.u32 s0, $0x1  }
0xc: {  	s30 =	sadd.s32 $0x10000, s29;
	s8 =	sadd.s32 s11, s5;
	s5 =	sadd.s32 s14, s6  }
0xd: {  	[dreg:$0x9] =	wrdreg s0;
	s15 =	sadd.s32 $0x20, s8;
	s16 =	sadd.s32 $0x40, s8  }
0xe: {  	s17 =	sadd.s32 $0x60, s8;
	[dreg:$0x4] =	wrdreg s8;
	s18 =	sadd.s32 $0x80, s8  }
0xf: {  	s19 =	sadd.s32 $0x900, s5;
	s6 =	sadd.s32 $0x800, s5;
	[dreg:$0x5] =	wrdreg s15  }
0x10: {  	s20 =	sadd.s32 $0x700, s5;
	s23 =	sshll.u32 s5, $0x3;
	[dreg:$0x6] =	wrdreg s16  }
0x11: {  	s24 =	sadd.s32 $0x600, s5;
	s5 =	sadd.s32 $0x500, s5;
	[dreg:$0x7] =	wrdreg s17  }
0x12: {  	[dreg:$0x8] =	wrdreg s18;
	s0 =	sshrl.u32 s19, $0x3;
	s6 =	sshrl.u32 s6, $0x3  }
0x13: {  	s22 =	sshrl.u32 s20, $0x3;
	s7 =	sshrl.u32 s24, $0x3;
	[dreg:$0xe] =	wrdreg s5  }
0x14: {  	s5 =	sshrl.u32 s30, $0x3;
	s24 =	simm.s32 $0x400;
	s15 =	simm.s32 $0x12500  }
0x15: {  	s17 =	simm.s32 $0x8;
	s0 =	sadd.s32 s0, s11;
	s21 =	sadd.s32 s6, s11  }
0x16: {  	s6 =	sadd.s32 s23, s3;
	s26 =	sadd.s32 s7, s11;
	[dreg:$0xa] =	wrdreg s0  }
0x17: {  	s19 =	sadd.s32 s5, s3;
	s5 =	simm.s32 $0x7;
	[dreg:$0xb] =	wrdreg s21  }
0x18: {  	s0 =	sadd.s32 s22, s11;
	s14 =	sadd.s32 $0x1000, s6;
	[dreg:$0xd] =	wrdreg s26  }
.Ltmp0:
0x19: {  	s16 =	sadd.s32 $0x800, s6;
	s6 =	sor.u32 $0xC000, s29;
	(pc) =	sbr.rel .LBB2_1-.Ltmp0, $4  }
0x1a: {  	s26 =	simm.s32 $0x80;
	s11 =	simm.s32 $0xF;
	s21 =	simm.s32 $0x9  }
0x1b: {  	s22 =	simm.s32 $0xA;
	[dreg:$0xc] =	wrdreg s0;
	s0 =	sadd.s32 s28, s3  }
0x1c: {  	s31 =	sshrl.u32 s6, $0x3;
	s6 =	simm.s32 $0xC500;
	s18 =	sadd.s32 s1, s0  }
0x1d: {  	s20 =	sadd.s32 s31, s3;
	s0 =	simm.s32 $0x4;
	s3 =	simm.s32 $0x0  }
.LBB2_8:
0x1e: {  	s1 =	simm.s32 $0xB  }
0x1f: {  	_ =	swait.ge [sflag:s1], $0x4000  }
0x20: {  	[sflag:s1] =	ssyncset.done $0x0  }
0x21: {  	s28 =	simm.s32 $0xC;
	[sflag:s1] =	ssyncadd.s32 $0xFFFFC000  }
0x22: {  	_ =	swait.ge [sflag:s28], $0x4000  }
0x23: {  	[sflag:s28] =	ssyncset.done $0x0  }
0x24: {  	s29 =	simm.s32 $0xD;
	[sflag:s28] =	ssyncadd.s32 $0xFFFFC000  }
0x25: {  	_ =	swait.ge [sflag:s29], $0x4000  }
0x26: {  	[sflag:s29] =	ssyncset.done $0x0  }
0x27: {  	s30 =	simm.s32 $0xE;
	[sflag:s29] =	ssyncadd.s32 $0xFFFFC000  }
0x28: {  	_ =	swait.ge [sflag:s30], $0x4000  }
0x29: {  	[sflag:s30] =	ssyncset.done $0x0  }
0x2a: {  	[sflag:s30] =	ssyncadd.s32 $0xFFFFC000  }
0x2b: {  	_ =	swait.ge [sflag:s11], $0x4000  }
0x2c: {  	s3 =	rddreg [dreg:$0xf]  }
0x2d: {  	s31 =	rddreg [dreg:$0x9];
	s3 =	sadd.s32 $0x1, s3  }
0x2e: {  	p0 =	sne.s32 s3, s31  }
.Ltmp1:
0x2f: {  	_ = 	snop;
	(pc) =	sbr.rel @!p0 .LBB2_9-.Ltmp1, $3  }
0x30: {  	_ =	sdelay $0x1  }
0x31: {  	[sflag:s11] =	ssyncset.done $0x0  }
0x32: {  	[sflag:s11] =	ssyncadd.s32 $0xFFFFC000  }
.LBB2_1:
0x33: {  	[dreg:$0xf] =	wrdreg s3  }
0x34: {  	s1 =	rddreg [dreg:$0x4]  }
0x35: {  	[tilespmem:s2], [sflag:$0x1] =	stream.linear.gather [hbm4b:s1+s2], $0x100, $0x38;
	[tilespmem:$0x14500] =	vst v63  }
0x36: {  	s13 =	rddreg [dreg:$0x5];
	s3 =	simm.s32 $0x100  }
0x37: {  	[tilespmem:s3], [sflag:$0x2] =	stream.linear.gather [hbm4b:s13+s2], $0x100, $0x38;
	[tilespmem:$0x14500] =	vst v63  }
0x38: {  	s23 =	rddreg [dreg:$0x6];
	s7 =	simm.s32 $0x200  }
0x39: {  	[tilespmem:s7], [sflag:$0x3] =	stream.linear.gather [hbm4b:s23+s2], $0x100, $0x38;
	[tilespmem:$0x14500] =	vst v63  }
0x3a: {  	s25 =	rddreg [dreg:$0x7];
	s8 =	simm.s32 $0x300  }
0x3b: {  	[tilespmem:s8], [sflag:$0x4] =	stream.linear.gather [hbm4b:s25+s2], $0x100, $0x38;
	[tilespmem:$0x14500] =	vst v63  }
0x3c: {  	s31 =	rddreg [dreg:$0x8];
	s8 =	simm.s32 $0x1  }
0x3d: {  	[tilespmem:s24], [sflag:$0x5] =	stream.linear.gather [hbm4b:s31+s2], $0x100, $0x38;
	[tilespmem:$0x14500] =	vst v63  }
0x3e: {  	_ =	swait.ge [sflag:s8], $0x100  }
0x3f: {  	[sflag:s8] =	ssyncset.done $0x0  }
0x40: {  	s13 =	simm.s32 $0x500;
	[sflag:s8] =	ssyncadd.s32 $0xFFFFFF00  }
0x41: {  	[tilespmem:s13], [sflag:$0x6] =	stream.indirect.gather [hbm4b:s4+s26], $0x40, s2, s26, $0xb8;
	[tilespmem:$0x14500] =	vst v63  }
0x42: {  	s23 =	simm.s32 $0x2500;
	s25 =	simm.s32 $0x2  }
0x43: {  	[tilespmem:s23], [sflag:$0x6] =	stream.indirect.gather [hbm4b:s4+s26], $0x40, s26, s26, $0xb8;
	[tilespmem:$0x14500] =	vst v63  }
0x44: {  	_ =	swait.ge [sflag:s25], $0x100  }
0x45: {  	[sflag:s25] =	ssyncset.done $0x0  }
0x46: {  	s31 =	simm.s32 $0x4500;
	[sflag:s25] =	ssyncadd.s32 $0xFFFFFF00  }
0x47: {  	[tilespmem:s31], [sflag:$0x7] =	stream.indirect.gather [hbm4b:s4+s26], $0x40, s3, s26, $0xb8;
	[tilespmem:$0x14500] =	vst v63  }
0x48: {  	s8 =	simm.s32 $0x6500;
	s13 =	simm.s32 $0x3;
	s3 =	simm.s32 $0x180  }
0x49: {  	[tilespmem:s8], [sflag:$0x7] =	stream.indirect.gather [hbm4b:s4+s26], $0x40, s3, s26, $0xb8;
	[tilespmem:$0x14500] =	vst v63  }
0x4a: {  	_ =	swait.ge [sflag:s13], $0x100  }
0x4b: {  	s29 =	rddreg [dreg:$0xe]  }
0x4c: {  	[sflag:s13] =	ssyncset.done $0x0;
	s3 =	rddreg [dreg:$0xc]  }
0x4d: {  	s23 =	simm.s32 $0x8500;
	s28 =	rddreg [dreg:$0xa];
	[sflag:s13] =	ssyncadd.s32 $0xFFFFFF00  }
0x4e: {  	[tilespmem:s23], [sflag:$0x8] =	stream.indirect.gather [hbm4b:s4+s26], $0x40, s7, s26, $0xb8;
	[tilespmem:$0x14500] =	vst v63  }
0x4f: {  	s25 =	simm.s32 $0x280;
	s31 =	simm.s32 $0xA500;
	s23 =	rddreg [dreg:$0xb]  }
0x50: {  	[tilespmem:s31], [sflag:$0x8] =	stream.indirect.gather [hbm4b:s4+s26], $0x40, s25, s26, $0xb8;
	[tilespmem:$0x14500] =	vst v63  }
0x51: {  	s30 =	simm.s32 $0x0;
	s25 =	rddreg [dreg:$0xd]  }
.LBB2_2:
0x52: {  	_ =	swait.ge [sflag:s0], $0x100  }
0x53: {  	p0 =	seq.s32 s30, $0x0;
	[sflag:s0] =	ssyncset.done $0x0  }
0x54: {  	s31 =	simm.s32 @!p0 $0xE;
	[sflag:s0] =	ssyncadd.s32 $0xFFFFFF00  }
0x55: {  	_ =	swait.ge @!p0 [sflag:s31], $0x4000  }
0x56: {  	[sflag:s31] =	ssyncset.done @!p0 $0x0  }
0x57: {  	s1 =	simm.s32 $0x300;
	[sflag:s31] =	ssyncadd.s32 @!p0 $0xFFFFC000  }
0x58: {  	[tilespmem:s6], [sflag:$0x9] =	stream.indirect.gather [hbm4b:s4+s26], $0x40, s1, s26, $0xb8;
	[tilespmem:$0x14500] =	vst v63  }
0x59: {  	s7 =	simm.s32 $0xE500;
	s31 =	simm.s32 $0x380  }
0x5a: {  	[tilespmem:s7], [sflag:$0x9] =	stream.indirect.gather [hbm4b:s4+s26], $0x40, s31, s26, $0xb8;
	[tilespmem:$0x14500] =	vst v63  }
0x5b: {  	_ =	swait.ge [sflag:s9], $0x2000  }
0x5c: {  	p1 =	sne.s32 s30, $0x2F800;
	[sflag:s9] =	ssyncset.done $0x0  }
.Ltmp2:
0x5d: {  	[sflag:s9] =	ssyncadd.s32 $0xFFFFE000;
	(pc) =	sbr.rel @p1 .LBB2_4-.Ltmp2, $4  }
0x5e: {  	_ =	swait.ge [sflag:s9], $0x2000  }
0x5f: {  	[sflag:s9] =	ssyncset.done $0x0  }
0x60: {  	s8 =	sadd.s32 s30, s18;
	s13 =	simm.s32 $0x500;
	[sflag:s9] =	ssyncadd.s32 $0xFFFFE000  }
0x61: {  	[hbm4b:s8+s2] =	stream.linear.scatter [tilespmem:s13], [sflag:$0xB], $0x4000, $0x38;
	[tilespmem:$0x14500] =	vst v63  }
.Ltmp3:
0x62: {  	(pc) =	sbr.rel .LBB2_5-.Ltmp3, $4  }
0x63: {  	_ = 	snop  }
0x64: {  	_ =	swait.ge [sflag:s10], $0x100  }
0x65: {  	[sflag:s10] =	ssyncset.done $0x0  }
0x66: {  	[sflag:s10] =	ssyncadd.s32 $0xFFFFFF00  }
.LBB2_4:
0x67: {  	s31 =	sshrl.u32 s29, $0x3;
	s1 =	rddreg [dreg:$0x3]  }
.Ltmp4:
0x68: {  	s31 =	sadd.s32 s1, s31;
	(pc) =	sbr.rel @p0 .LBB2_6-.Ltmp4, $4  }
0x69: {  	[tilespmem:s2], [sflag:$0x1] =	stream.linear.gather [hbm4b:s31+s2], $0x100, $0x38;
	[tilespmem:$0x14500] =	vst v63  }
0x6a: {  	_ =	swait.ge [sflag:s10], $0x100  }
0x6b: {  	[sflag:s10] =	ssyncset.done $0x0  }
0x6c: {  	[sflag:s10] =	ssyncadd.s32 $0xFFFFFF00  }
.LBB2_5:
0x6d: {  	_ =	swait.ge [sflag:s11], $0x4000  }
0x6e: {  	[sflag:s11] =	ssyncset.done $0x0  }
0x6f: {  	[sflag:s11] =	ssyncadd.s32 $0xFFFFC000  }
.LBB2_6:
0x70: {  	[tilespmem:s12], [sflag:$0xA] =	stream.indirect.gather [hbm4b:s4+s26], $0x40, s24, s26, $0xb8;
	[tilespmem:$0x14500] =	vst v63  }
0x71: {  	s1 =	simm.s32 $0x480  }
0x72: {  	[tilespmem:s15], [sflag:$0xA] =	stream.indirect.gather [hbm4b:s4+s26], $0x40, s1, s26, $0xb8;
	[tilespmem:$0x14500] =	vst v63  }
0x73: {  	_ =	swait.ge [sflag:s5], $0x2000  }
0x74: {  	[sflag:s5] =	ssyncset.done $0x0  }
0x75: {  	[sflag:s5] =	ssyncadd.s32 $0xFFFFE000  }
0x76: {  	_ =	swait.ge [sflag:s5], $0x2000  }
0x77: {  	p0 =	seq.s32 s30, $0x2F800;
	[sflag:s5] =	ssyncset.done $0x0  }
0x78: {  	s31 =	sadd.s32 s30, s16;
	s8 =	simm.s32 $0x4500;
	[sflag:s5] =	ssyncadd.s32 $0xFFFFE000  }
0x79: {  	[hbm4b:s31+s2] =	stream.linear.scatter [tilespmem:s8], [sflag:$0xC], $0x4000, $0x38;
	[tilespmem:$0x14500] =	vst v63  }
0x7a: {  	s7 =	simm.s32 @!p0 $0x100;
	s31 =	simm.s32 @!p0 $0x0;
	s8 =	simm.s32 @!p0 $0x1  }
0x7b: {  	[tilespmem:s7], [sflag:$0x2] =	stream.linear.gather @!p0 [hbm4b:s25+s31], $0x100, $0x38;
	[tilespmem:$0x14500] =	vst v63  }
0x7c: {  	_ =	swait.ge @!p0 [sflag:s8], $0x100  }
0x7d: {  	[sflag:s8] =	ssyncset.done @!p0 $0x0  }
0x7e: {  	[sflag:s8] =	ssyncadd.s32 @!p0 $0xFFFFFF00;
	s8 =	simm.s32 @!p0 $0xB  }
0x7f: {  	_ =	swait.ge @!p0 [sflag:s8], $0x4000  }
0x80: {  	[sflag:s8] =	ssyncset.done @!p0 $0x0  }
0x81: {  	s1 =	simm.s32 @!p0 $0x500;
	[sflag:s8] =	ssyncadd.s32 @!p0 $0xFFFFC000;
	s8 =	simm.s32 @!p0 $0x80  }
0x82: {  	[tilespmem:s1], [sflag:$0x6] =	stream.indirect.gather @!p0 [hbm4b:s4+s8], $0x40, s31, s8, $0xb8;
	[tilespmem:$0x14500] =	vst v63  }
0x83: {  	s1 =	simm.s32 @!p0 $0x2500  }
0x84: {  	[tilespmem:s1], [sflag:$0x6] =	stream.indirect.gather @!p0 [hbm4b:s4+s8], $0x40, s8, s8, $0xb8;
	[tilespmem:$0x14500] =	vst v63  }
0x85: {  	_ =	swait.ge [sflag:s17], $0x2000  }
0x86: {  	[sflag:s17] =	ssyncset.done $0x0  }
0x87: {  	[sflag:s17] =	ssyncadd.s32 $0xFFFFE000  }
0x88: {  	_ =	swait.ge [sflag:s17], $0x2000  }
0x89: {  	[sflag:s17] =	ssyncset.done $0x0  }
0x8a: {  	s13 =	simm.s32 $0x8500;
	s1 =	sadd.s32 s30, s14;
	[sflag:s17] =	ssyncadd.s32 $0xFFFFE000  }
0x8b: {  	[hbm4b:s1+s2] =	stream.linear.scatter [tilespmem:s13], [sflag:$0xD], $0x4000, $0x38;
	[tilespmem:$0x14500] =	vst v63  }
0x8c: {  	s1 =	simm.s32 @!p0 $0x200;
	s13 =	simm.s32 @!p0 $0x2  }
0x8d: {  	[tilespmem:s1], [sflag:$0x3] =	stream.linear.gather @!p0 [hbm4b:s3+s31], $0x100, $0x38;
	[tilespmem:$0x14500] =	vst v63  }
0x8e: {  	_ =	swait.ge @!p0 [sflag:s13], $0x100  }
0x8f: {  	[sflag:s13] =	ssyncset.done @!p0 $0x0  }
0x90: {  	[sflag:s13] =	ssyncadd.s32 @!p0 $0xFFFFFF00;
	s13 =	simm.s32 @!p0 $0xC  }
0x91: {  	_ =	swait.ge @!p0 [sflag:s13], $0x4000  }
0x92: {  	[sflag:s13] =	ssyncset.done @!p0 $0x0  }
0x93: {  	[sflag:s13] =	ssyncadd.s32 @!p0 $0xFFFFC000;
	s13 =	simm.s32 @!p0 $0x4500  }
0x94: {  	[tilespmem:s13], [sflag:$0x7] =	stream.indirect.gather @!p0 [hbm4b:s4+s8], $0x40, s7, s8, $0xb8;
	[tilespmem:$0x14500] =	vst v63  }
0x95: {  	s7 =	simm.s32 @!p0 $0x180;
	s13 =	simm.s32 @!p0 $0x6500  }
0x96: {  	[tilespmem:s13], [sflag:$0x7] =	stream.indirect.gather @!p0 [hbm4b:s4+s8], $0x40, s7, s8, $0xb8;
	[tilespmem:$0x14500] =	vst v63  }
0x97: {  	_ =	swait.ge [sflag:s21], $0x2000  }
0x98: {  	[sflag:s21] =	ssyncset.done $0x0  }
0x99: {  	[sflag:s21] =	ssyncadd.s32 $0xFFFFE000  }
0x9a: {  	_ =	swait.ge [sflag:s21], $0x2000  }
0x9b: {  	[sflag:s21] =	ssyncset.done $0x0  }
0x9c: {  	s13 =	sadd.s32 s30, s20;
	[sflag:s21] =	ssyncadd.s32 $0xFFFFE000  }
0x9d: {  	[hbm4b:s13+s2] =	stream.linear.scatter [tilespmem:s6], [sflag:$0xE], $0x4000, $0x38;
	[tilespmem:$0x14500] =	vst v63  }
0x9e: {  	s7 =	simm.s32 @!p0 $0x300  }
0x9f: {  	[tilespmem:s7], [sflag:$0x4] =	stream.linear.gather @!p0 [hbm4b:s23+s31], $0x100, $0x38;
	[tilespmem:$0x14500] =	vst v63  }
0xa0: {  	s7 =	simm.s32 @!p0 $0x3  }
0xa1: {  	_ =	swait.ge @!p0 [sflag:s7], $0x100  }
0xa2: {  	[sflag:s7] =	ssyncset.done @!p0 $0x0  }
0xa3: {  	[sflag:s7] =	ssyncadd.s32 @!p0 $0xFFFFFF00;
	s7 =	simm.s32 @!p0 $0xD  }
0xa4: {  	_ =	swait.ge @!p0 [sflag:s7], $0x4000  }
0xa5: {  	[sflag:s7] =	ssyncset.done @!p0 $0x0  }
0xa6: {  	[sflag:s7] =	ssyncadd.s32 @!p0 $0xFFFFC000;
	s7 =	simm.s32 @!p0 $0x8500  }
0xa7: {  	[tilespmem:s7], [sflag:$0x8] =	stream.indirect.gather @!p0 [hbm4b:s4+s8], $0x40, s1, s8, $0xb8;
	[tilespmem:$0x14500] =	vst v63  }
0xa8: {  	s1 =	simm.s32 @!p0 $0x280;
	s7 =	simm.s32 @!p0 $0xA500  }
0xa9: {  	[tilespmem:s7], [sflag:$0x8] =	stream.indirect.gather @!p0 [hbm4b:s4+s8], $0x40, s1, s8, $0xb8;
	[tilespmem:$0x14500] =	vst v63  }
0xaa: {  	_ =	swait.ge [sflag:s22], $0x2000  }
0xab: {  	[sflag:s22] =	ssyncset.done $0x0  }
.Ltmp5:
0xac: {  	[sflag:s22] =	ssyncadd.s32 $0xFFFFE000;
	(pc) =	sbr.rel @p0 .LBB2_8-.Ltmp5, $4  }
0xad: {  	_ =	swait.ge [sflag:s22], $0x2000  }
0xae: {  	[sflag:s22] =	ssyncset.done $0x0  }
0xaf: {  	s31 =	sadd.s32 s30, s19;
	[sflag:s22] =	ssyncadd.s32 $0xFFFFE000  }
0xb0: {  	[hbm4b:s31+s2] =	stream.linear.scatter [tilespmem:s12], [sflag:$0xF], $0x4000, $0x38;
	[tilespmem:$0x14500] =	vst v63  }
.Ltmp6:
0xb1: {  	(pc) =	sbr.rel .LBB2_2-.Ltmp6, $4  }
0xb2: {  	_ = 	snop  }
0xb3: {  	[tilespmem:s24], [sflag:$0x5] =	stream.linear.gather [hbm4b:s28+s2], $0x100, $0x38;
	[tilespmem:$0x14500] =	vst v63  }
0xb4: {  	s28 =	sadd.s32 $0xA0, s28;
	s23 =	sadd.s32 $0xA0, s23;
	s3 =	sadd.s32 $0xA0, s3  }
0xb5: {  	s30 =	sadd.s32 $0x2800, s30;
	s25 =	sadd.s32 $0xA0, s25;
	s29 =	sadd.s32 $0x500, s29  }
.LBB2_9:
0xb6: {  	_ =	sfence.sel $0x180000  }
0xb7: {  	[bflag:$0x0] =	sbarrier.arrive $0xFFFF  }
0xb8: {  	_ =	strace $0x90000047  }
0xb9: {  	s0 =	stileid.u32;
	[bflag:$0x2] =	sbarrier.arrive $0xFFFF  }
0xba: {  	p0 =	sne.s32 s0, $0x0;
	s0 =	rddreg [dreg:$0x2]  }
0xbb: {  	s0 =	sadd.s32 @!p0 $0x100000, s0  }
0xbc: {  	[sflag:s0] =	ssyncadd.tile.s32 @!p0 $0x1;
	_ =	shalt  }
.Lfunc_end2:
_tile_overlayer_lowered:
.L_overlay_start_2:
0xbd: {  	(tag) =	ssettag $0x2  }
0xbe: {  	s0 =	rddreg [dreg:$0x0];
	s2 =	stileid.u32  }
0xbf: {  	s1 =	rddreg [dreg:$0x1];
	p0 =	sne.s32 s2, $0x0  }
0xc0: {  	s3 =	rddreg [dreg:$0x2];
	[bflag:$0x3] =	sbarrier.arrive $0xFFFF;
	s2 =	simm.s32 @!p0 $0x1C10  }
0xc1: {  	[timem:s3], [sflag:s2] =	dma.local @!p0 [hbm:s0], s1  }
0xc2: {  	s0 =	simm.s32 @!p0 $0x10  }
0xc3: {  	_ =	swait.ge @!p0 [sflag:s0], s1  }
0xc4: {  	s1 =	ssub.s32 @!p0 $0x0, s1;
	[sflag:s0] =	ssyncset.done @!p0 $0x0  }
0xc5: {  	[sflag:s0] =	ssyncadd.s32 @!p0 s1  }
0xc6: {  	[bflag:$0x3] =	sbarrier.arrive $0xFFFF  }
0xc7: {  	_ =	shalt  }

// kernel: sparse-core-data-format-call.cloned.1.call-start
scs
called_computation_lowered:
.L_overlay_start_0:
0x0: {  	s2 =	sld [smem:$0x3FD9]  }
0x1: {  	s3 =	sld [smem:$0x3FFE];
	_ =	sdelay $0x1  }
0x2: {  	s1 =	srdreg.scid  }
0x3: {  	s0 =	sand.u32 $0x1, s1  }
0x4: {  	s18 =	sshll.u32 s0, $0xA;
	s2 =	sadd.s32 s3, s2  }
0x5: {  	s2 =	sadd.s32 s2, s18  }
0x6: {  	[smem:$0x3FC6] =	sst s2  }
0x7: {  	_ = 	snop  }
0x8: {  	s2 =	sld [smem:$0x3FD0];
	(tm) =	ssettm $0x1  }
0x9: {  	s19 =	sld [smem:$0x3FFB];
	_ =	sdelay $0x3  }
0xa: {  	_ =	strace s19  }
0xb: {  	s3 =	sld [smem:$0x3FFC];
	_ =	sdelay $0x3  }
0xc: {  	_ =	strace s3  }
0xd: {  	s3 =	sld [smem:$0x3FFD];
	_ =	sdelay $0x3  }
0xe: {  	_ =	strace s3  }
0xf: {  	_ =	strace $0x8FFFFFFF  }
0x10: {  	s20 =	sld [smem:$0x3FDB];
	_ =	sdelay $0x1  }
0x11: {  	s4 =	simm.s32 $_scs_section_size  }
0x12: {  	s5 =	simm.s32 $_size__tile_overlayer_lowered;
	s6 =	simm.s32 $_tile_overlayer_lowered  }
0x13: {  	s23 =	simm.s32 $0x1BFF;
	s22 =	sshll.u32 s6, $0x1;
	s3 =	sadd.s32 s4, s20  }
0x14: {  	s7 =	simm.s32 $0x0;
	s21 =	sshll.u32 s5, $0x1;
	s5 =	sadd.s32 s22, s3  }
0x15: {  	[timem:s7], [sflag:s23] =	dma.local [hbm:s5], s21  }
0x16: {  	_ =	swait.ge [sflag:s23], s21  }
0x17: {  	s4 =	ssub.s32 $0x0, s21;
	[sflag:s23] =	ssyncset.done $0x0  }
0x18: {  	[sflag:s23] =	ssyncadd.s32 s4;
	_ =	sdelay $0x1  }
0x19: {  	s24 =	simm.s32 $0x1B8B  }
0x1a: {  	_ =	swait.ge [sflag:s24], $0x1  }
0x1b: {  	[sflag:s24] =	ssyncset.done $0x0  }
0x1c: {  	s26 =	simm.s32 $0x1B8E;
	s25 =	sld [smem:$0x3FFE];
	[sflag:s24] =	ssyncadd.s32 $0xFFFFFFFF  }
0x1d: {  	s27 =	simm.s32 $execute0_lowered;
	[smem:$0x3FD2] =	sst s26  }
0x1e: {  	s5 =	sshll.u32 s27, $0x1;
	_ =	strace $0x80000049;
	[dreg:$0x1] =	wrdreg $0xFFFFFFFF  }
0x1f: {  	s28 =	simm.s32 $_size_execute0_lowered;
	s3 =	sadd.s32 s3, s5;
	[dreg:$0x0] =	wrdreg $0x0  }
0x20: {  	s5 =	sshll.u32 s28, $0x1;
	[dreg:$0x2] =	wrdreg s3  }
0x21: {  	[dreg:$0x3] =	wrdreg s5  }
0x22: {  	[dreg:$0x4] =	wrdreg $0xC0  }
0x23: {  	_ =	task [dreg:s7], $0x5FFFF  }
0x24: {  	[dreg:$0x1] =	wrdreg $0xFFFFFFFF  }
0x25: {  	[dreg:$0x0] =	wrdreg $0x60  }
0x26: {  	[dreg:$0x2] =	wrdreg s25  }
0x27: {  	[dreg:$0x3] =	wrdreg s2  }
0x28: {  	[dreg:$0x4] =	wrdreg $0x9  }
0x29: {  	_ =	task.clear_ibuf [dreg:s7], $0x5FFFF;
	_ =	strace $0x90000049  }
0x2a: {  	s29 =	simm.s32 $0x9;
	_ =	strace $0x8000004B  }
0x2b: {  	_ =	swait.ge [sflag:s29], $0x1  }
0x2c: {  	[sflag:s29] =	ssyncadd.s32 $0xFFFFFFFF  }
0x2d: {  	_ =	strace $0x9000004B  }
0x2e: {  	_ =	sfence  }
0x2f: {  	s30 =	sld [smem:$0x0];
	_ =	sdelay $0x2  }
0x30: {  	s31 =	sshll.u32 s1, $0xD;
	s1 =	sshrl.u32 s1, $0x2  }
0x31: {  	s3 =	sand.u32 $0x4000, s31;
	s1 =	sadd.s32 s1, s30  }
0x32: {  	s0 =	sor.u32 s3, s0;
	s1 =	sshll.u32 s1, $0x11  }
0x33: {  	s0 =	sor.u32 s1, s0  }
0x34: {  	s0 =	sadd.s32 $0x8F2B, s0  }
0x35: {  	[sflag:s0] =	ssyncadd.remote.s32 $0x1  }
0x36: {  	_ =	sfence.sel $0xFFFF  }
0x37: {  	[dreg:$0x0] =	wrdreg $0xFFFFFFFF;
	(pc) =	sbr.abs _section_cstart, $3  }
0x38: {  	[dreg:$0x1] =	wrdreg $0xFFFFFFFF  }
0x39: {  	_ =	task.clear_ibuf [dreg:s7], $0x2FFFF;
	_ =	strace $0x9FFFFFFF  }
0x3a: {  	(tm) =	ssettm $0x7FFFFFFF  }
0x3b: {  	_ =	shalt  }
tec
execute0_lowered:
.L_overlay_start_1:
0x0: {  	(tag) =	ssettag $0x1  }
0x1: {  	s0 =	srdreg.scid  }
0x2: {  	s1 =	sshll.u32 s0, $0x4  }
0x3: {  	s0 =	stileid.u32;
	s1 =	sand.u32 $0x10, s1  }
0x4: {  	s1 =	sor.u32 s0, s1  }
0x5: {  	s6 =	rddreg [dreg:$0x0];
	s4 =	simm.s32 $0x1;
	s2 =	sshll.u32 s1, $0x7  }
0x6: {  	s7 =	simm.s32 $0x2;
	s12 =	simm.s32 $0x0;
	s1 =	ssub.s32 $0x4000, s2  }
0x7: {  	s8 =	simm.s32 $0x20000;
	s13 =	simm.s32 $0x0;
	s3 =	sand.u32 $0xF80, s1  }
0x8: {  	s9 =	simm.s32 $0x0;
	s5 =	sshrl.u32 s1, $0xC;
	p0 =	sne.s32 s3, $0x0  }
.Ltmp0:
0x9: {  	s1 =	rddreg [dreg:$0x2];
	s4 =	simm.s32 @!p0 $0x0;
	(pc) =	sbr.rel .LBB1_1-.Ltmp0, $4  }
0xa: {  	s11 =	simm.s32 $0x0;
	s3 =	rddreg [dreg:$0x1];
	s5 =	sadd.s32 s4, s5  }
0xb: {  	_ =	strace $0x8000004A;
	s4 =	simm.s32 $0x1;
	s5 =	smul.u32 $0x32, s5  }
0xc: {  	s6 =	sadd.s32 $0xA00, s6;
	s10 =	smov.u32 s2;
	[sflag:s4] =	ssyncpa.u1 $0x0  }
0xd: {  	p0 =	por $0x0, $0x0;
	[sflag:s7] =	ssyncpa.u1 $0x0;
	s7 =	sor.u32 $0x1, s5  }
.LBB1_4:
0xe: {  	s16 =	sshll.u32 s13, $0x3;
	s17 =	sand.u32 $0x78, s13  }
0xf: {  	s30 =	sand.u32 $0x1F800, s13;
	s12 =	sshll.u32 s12, $0x11;
	s16 =	sand.u32 $0x3C00, s16  }
0x10: {  	[tilespmem:s15+$0x810 ss:$0x81] =	vst.msk $0xffff, v2;
	s31 =	sand.u32 $0x7, s13;
	s16 =	sor.u32 s17, s16;
	s17 =	sadd.s32 s3, s30  }
0x11: {  	[tilespmem:s15+$0x1020 ss:$0x81] =	vst.msk $0xffff, v0;
	s13 =	sshll.u32 s31, $0x12;
	s12 =	sadd.s32 s12, s17;
	s16 =	sshrl.u32 s16, $0x3  }
0x12: {  	[tilespmem:s15+$0x0 ss:$0x81] =	vst.msk $0xffff, v1;
	s13 =	sor.u32 $0x400, s13;
	s12 =	sadd.s32 s16, s12  }
0x13: {  	[hbm4b:s12+s13] =	stream.strided.scatter [tilespmem:s14], [sflag:$0x2], $0x2000, s8, s13, $0x20;
	[tilespmem:$0x8080] =	vst v63  }
.LBB1_5:
0x14: {  	s14 =	sadd.s32 $0x1, s9  }
0x15: {  	s12 =	sadd.s32 $0x1000, s10;
	s16 =	smov.u32 s10;
	p2 =	sgt.s32 s14, $0x31  }
0x16: {  	s16 =	smov.u32 @p2 s12  }
0x17: {  	s14 =	simm.s32 @p2 $0x0;
	p2 =	sgt.s32 s16, $0x3FFF  }
0x18: {  	s16 =	smov.u32 @p2 s2;
	p2 =	sne.s32 s11, s7  }
.Ltmp1:
0x19: {  	p1 =	slt.u32 s11, $0x2;
	(pc) =	sbr.rel @!p2 .LBB1_6-.Ltmp1, $4  }
0x1a: {  	s15 =	simm.s32 @!p1 $0x2  }
0x1b: {  	s13 =	smov.u32 s10;
	p0 =	por !p0, !p0;
	_ =	swait.ge @!p1 [sflag:s15], $0x2000  }
0x1c: {  	s12 =	smov.u32 s9;
	[sflag:s15] =	ssyncset.done @!p1 $0x0;
	s9 =	smov.u32 s14  }
0x1d: {  	s11 =	sadd.s32 $0x1, s11;
	[sflag:s15] =	ssyncadd.s32 @!p1 $0xFFFFE000;
	s10 =	smov.u32 s16  }
.LBB1_1:
0x1e: {  	p1 =	sge.u32 s11, s5  }
0x1f: {  	s14 =	sand.u32 @!p1 $0x1FFFFFF, s9  }
0x20: {  	s15 =	smulhi.u32 @!p1 $0x4924925, s14;
	_ =	sdelay $0x1  }
0x21: {  	s15 =	smul.u32 @!p1 $0x38, s15  }
0x22: {  	s16 =	sxor.u32 @!p1 $0xFFFFFFFF, s11;
	s17 =	smul.u32 @!p1 $0x380, s10  }
0x23: {  	s31 =	sadd.s32 $0xFFFFFFFF, s11;
	s16 =	sshll.u32 @!p1 s16, $0xD;
	s14 =	ssub.s32 @!p1 s14, s15  }
0x24: {  	s15 =	sand.u32 @!p1 $0x2000, s16;
	s16 =	sadd.s32 @!p1 s6, s17;
	s14 =	sshll.u32 @!p1 s14, $0x4  }
0x25: {  	s17 =	simm.s32 @!p1 $0x1C00;
	s14 =	sadd.s32 @!p1 s14, s16;
	s16 =	simm.s32 @!p1 $0x40  }
0x26: {  	[tilespmem:s15], [sflag:$0x1] =	stream.strided.gather @!p1 [hbm4b:s14+s16], $0x2000, s17, s16, $0x38;
	[tilespmem:$0x8080] =	vst v63  }
0x27: {  	p1 =	sge.u32 s31, s5  }
.Ltmp2:
0x28: {  	_ = 	snop;
	(pc) =	sbr.rel @p1 .LBB1_5-.Ltmp2, $1  }
0x29: {  	_ =	sdelay $0x3  }
0x2a: {  	s14 =	simm.s32 $0x1  }
0x2b: {  	_ =	swait.ge [sflag:s4], $0x2000;
	s14 =	simm.s32 @!p0 $0x0  }
0x2c: {  	[sflag:s4] =	ssyncset.done $0x0;
	s15 =	sshll.u32 s14, $0xD  }
0x2d: {  	[sflag:s4] =	ssyncadd.s32 $0xFFFFE000;
	s18 =	sor.u32 $0x20, s15  }
0x2e: {  	s14 =	smul.u32 $0x8100, s14;
	v3 =	vld [tilespmem:s18+$0x10]  }
0x2f: {  	s30 =	sand.u32 $0x1, s11;
	v2 =	vld [tilespmem:s18+$0xFFFFFFF0]  }
0x30: {  	s15 =	smul.u32 $0x8100, s30;
	s14 =	sshrl.u32 s14, $0x2;
	v0 =	vld [tilespmem:s18+$0x0]  }
0x31: {  	v1 =	vld [tilespmem:s18+$0xFFFFFFE0];
	s16 =	sor.u32 $0x4000, s14  }
0x32: {  	s31 =	sshrl.u32 s15, $0x2;
	s15 =	sadd.s32 $0x0, s16  }
0x33: {  	s17 =	simm.s32 $0x4;
	s18 =	sadd.s32 $0x40, s18;
	s14 =	sor.u32 $0x4000, s31;
	[tilespmem:s15+$0x1830 ss:$0x81] =	vst.msk $0xffff, v3  }
.LBB1_3:
0x34: {  	v3 =	vld [tilespmem:s18+$0x10];
	p1 =	sne.s32 s17, $0x1FC;
	[tilespmem:s15+$0x810 ss:$0x81] =	vst.msk $0xffff, v2;
	s19 =	smov.u32 s17;
	s17 =	sadd.s32 $0x4, s17  }
.Ltmp3:
0x35: {  	v2 =	vld [tilespmem:s18+$0xFFFFFFF0];
	[tilespmem:s15+$0x1020 ss:$0x81] =	vst.msk $0xffff, v0;
	(pc) =	sbr.rel @p1 .LBB1_3-.Ltmp3, $4  }
0x36: {  	v0 =	vld [tilespmem:s18+$0x0];
	[tilespmem:s15+$0x0 ss:$0x81] =	vst.msk $0xffff, v1  }
0x37: {  	s15 =	sshra.s32 s19, $0x2;
	v1 =	vld [tilespmem:s18+$0xFFFFFFE0]  }
0x38: {  	s15 =	sadd.s32 s15, s16  }
0x39: {  	s18 =	sadd.s32 $0x40, s18;
	[tilespmem:s15+$0x1830 ss:$0x81] =	vst.msk $0xffff, v3  }
.Ltmp4:
0x3a: {  	_ = 	snop;
	(pc) =	sbr.rel .LBB1_4-.Ltmp4, $1  }
0x3b: {  	_ =	sdelay $0x3  }
.LBB1_6:
0x3c: {  	_ =	sfence.sel $0x180000  }
0x3d: {  	s2 =	simm.s32 $0x1;
	[bflag:$0x0] =	sbarrier.arrive $0xFFFF  }
0x3e: {  	s31 =	simm.s32 $0x2;
	[sflag:s2] =	ssyncpa.u1 $0x1  }
0x3f: {  	[sflag:s31] =	ssyncpa.u1 $0x1  }
0x40: {  	p0 =	sne.s32 s0, $0x0;
	_ =	strace $0x9000004A  }
0x41: {  	s0 =	sadd.s32 @!p0 $0x100000, s1;
	[bflag:$0x2] =	sbarrier.arrive $0xFFFF  }
0x42: {  	[sflag:s0] =	ssyncadd.tile.s32 @!p0 $0x1;
	_ =	shalt  }
.Lfunc_end1:
_tile_overlayer_lowered:
.L_overlay_start_2:
0x43: {  	(tag) =	ssettag $0x2  }
0x44: {  	s0 =	rddreg [dreg:$0x0];
	s2 =	stileid.u32  }
0x45: {  	s1 =	rddreg [dreg:$0x1];
	p0 =	sne.s32 s2, $0x0  }
0x46: {  	s3 =	rddreg [dreg:$0x2];
	[bflag:$0x3] =	sbarrier.arrive $0xFFFF;
	s2 =	simm.s32 @!p0 $0x1C01  }
0x47: {  	[timem:s3], [sflag:s2] =	dma.local @!p0 [hbm:s0], s1  }
0x48: {  	s0 =	simm.s32 @!p0 $0x1  }
0x49: {  	_ =	swait.ge @!p0 [sflag:s0], s1  }
0x4a: {  	s1 =	ssub.s32 @!p0 $0x0, s1;
	[sflag:s0] =	ssyncset.done @!p0 $0x0  }
0x4b: {  	[sflag:s0] =	ssyncadd.s32 @!p0 s1  }
0x4c: {  	[bflag:$0x3] =	sbarrier.arrive $0xFFFF  }
0x4d: {  	_ =	shalt  }

</sc_bundles>
